<compile_context>
chip_gen: v7x
topology: tpu7x:2x2x1
jax: 0.10.2.dev20260603
libtpu: 0.0.44.dev20260713+nightly
codegen_flags: <defaults>
</compile_context>

<pallas_src>
import functools

import jax
import jax.numpy as jnp
from jax import lax
from jax.experimental import pallas as pl
from jax.experimental.pallas import tpu as pltpu
from jax.experimental.pallas import tpu_sc as plsc

N = 10000
NP = 10240
DIN = 256
DH = 128
C = 40
E = 160000

NC = 2
NS = 16
NW = NC * NS
K = 128
EPT = 5376
NCHUNK = EPT // K
E2P = NW * EPT
RPT = NP // NS

BN = 512

_SC_MESH = plsc.VectorSubcoreMesh(core_axis_name="c", subcore_axis_name="s")
_SC_CP = pltpu.CompilerParams(needs_layout_passes=False)


def _deg_body(dst_hbm, deg_hbm, dst_v, hist):
    cid = lax.axis_index("c")
    sid = lax.axis_index("s")
    wid = cid * NS + sid
    pltpu.sync_copy(dst_hbm.at[wid], dst_v)

    @pl.loop(0, NP, step=16)
    def _(i):
        hist[pl.ds(i, 16)] = jnp.zeros((16,), jnp.float32)

    ones = jnp.ones((16,), jnp.float32)

    @pl.loop(0, EPT, step=16)
    def _(e):
        plsc.addupdate_scatter(hist, [dst_v[pl.ds(e, 16)]], ones)

    pltpu.sync_copy(hist, deg_hbm.at[wid])


_deg_kernel = functools.partial(
    pl.kernel,
    out_type=jax.ShapeDtypeStruct((NW, NP), jnp.float32),
    mesh=_SC_MESH,
    compiler_params=_SC_CP,
    scratch_types=[
        pltpu.VMEM((EPT,), jnp.int32),
        pltpu.VMEM((NP,), jnp.float32),
    ],
)(_deg_body)


def _msg_body(hwa_hbm, hwb_hbm, srcp_hbm, dstp_hbm, outa_hbm, outb_hbm,
              src_v, dst_v, buf0, buf1, zbuf, agg, gs0, gs1, ss0, ss1):
    cid = lax.axis_index("c")
    sid = lax.axis_index("s")
    wid = cid * NS + sid
    pltpu.sync_copy(srcp_hbm.at[wid], src_v)
    pltpu.sync_copy(dstp_hbm.at[wid], dst_v)

    @pl.loop(0, 16)
    def _(r):
        @pl.loop(0, DH, step=16)
        def _(j):
            zbuf[r, pl.ds(j, 16)] = jnp.zeros((16,), jnp.float32)

    for hw_hbm, out_hbm in ((hwa_hbm, outa_hbm), (hwb_hbm, outb_hbm)):
        @pl.loop(0, RPT, step=16)
        def _(r):
            pltpu.sync_copy(zbuf, agg.at[pl.ds(sid * RPT + r, 16)])

        plsc.subcore_barrier()

        pltpu.async_copy(hw_hbm.at[src_v.at[0]], buf0, gs0)

        @pl.loop(0, NCHUNK, step=2)
        def _(c):
            pltpu.make_async_copy(hw_hbm.at[src_v.at[c]], buf0, gs0).wait()

            @pl.when(c > 0)
            def _():
                pltpu.make_async_copy(buf1, agg.at[dst_v.at[c - 1]],
                                      ss1).wait()

            pltpu.async_copy(hw_hbm.at[src_v.at[c + 1]], buf1, gs1)
            pltpu.async_copy(buf0, agg.at[dst_v.at[c]], ss0, add=True)
            pltpu.make_async_copy(hw_hbm.at[src_v.at[c + 1]], buf1, gs1).wait()
            pltpu.make_async_copy(buf0, agg.at[dst_v.at[c]], ss0).wait()

            @pl.when(c + 2 < NCHUNK)
            def _():
                pltpu.async_copy(hw_hbm.at[src_v.at[c + 2]], buf0, gs0)

            pltpu.async_copy(buf1, agg.at[dst_v.at[c + 1]], ss1, add=True)

        pltpu.make_async_copy(buf1, agg.at[dst_v.at[NCHUNK - 1]], ss1).wait()

        plsc.subcore_barrier()
        pltpu.sync_copy(agg.at[pl.ds(sid * RPT, RPT)],
                        out_hbm.at[cid, pl.ds(sid * RPT, RPT)])


_msg_kernel = functools.partial(
    pl.kernel,
    out_type=(jax.ShapeDtypeStruct((NC, NP, DH), jnp.float32),
              jax.ShapeDtypeStruct((NC, NP, DH), jnp.float32)),
    mesh=_SC_MESH,
    scratch_types=[
        pltpu.VMEM((NCHUNK, K), jnp.int32),
        pltpu.VMEM((NCHUNK, K), jnp.int32),
        pltpu.VMEM((K, DH), jnp.float32),
        pltpu.VMEM((K, DH), jnp.float32),
        pltpu.VMEM((16, DH), jnp.float32),
        pltpu.VMEM_SHARED((NP, DH), jnp.float32),
        pltpu.SemaphoreType.DMA,
        pltpu.SemaphoreType.DMA,
        pltpu.SemaphoreType.DMA,
        pltpu.SemaphoreType.DMA,
    ],
)(_msg_body)


def _dense_body(x_ref, w1_ref, b1_ref, wg_ref, deg_ref,
                hwa_ref, hwb_ref, dinv_ref):
    h = jnp.maximum(
        jnp.dot(x_ref[...], w1_ref[...], preferred_element_type=jnp.float32) + b1_ref[...], 0.0)
    hw = jnp.dot(h, wg_ref[...], preferred_element_type=jnp.float32)
    deg = jnp.sum(deg_ref[...], axis=0)
    dinv = jnp.where(deg > 0, lax.rsqrt(deg), 0.0)
    dinv_ref[...] = dinv[None, :]
    hwa_ref[...] = hw[:, :DH] * dinv[:, None]
    hwb_ref[...] = hw[:, DH:] * dinv[:, None]


def _final_body(pa_ref, pb_ref, dinv_ref, bg_ref, wc_ref, bc_ref, o_ref):
    dinv = dinv_ref[0, :][:, None]
    hl = jnp.maximum((pa_ref[0] + pa_ref[1]) * dinv + bg_ref[:, :DH], 0.0)
    hr = jnp.maximum((pb_ref[0] + pb_ref[1]) * dinv + bg_ref[:, DH:], 0.0)
    h2 = jnp.concatenate([hl, hr], axis=1)
    o_ref[...] = jnp.dot(h2, wc_ref[...], preferred_element_type=jnp.float32) + bc_ref[...]


def kernel(X, edge_index, W1, b1, Wg, bg, Wc, bc):
    src = edge_index[0].astype(jnp.int32)
    dst = edge_index[1].astype(jnp.int32)
    loop_idx = jnp.arange(N, dtype=jnp.int32)
    pad_idx = jnp.full((E2P - E - N,), NP - 1, dtype=jnp.int32)
    srcp = jnp.concatenate([src, loop_idx, pad_idx]).reshape(NW, NCHUNK, K)
    dst_flat = jnp.concatenate([dst, loop_idx, pad_idx])
    dstp = dst_flat.reshape(NW, NCHUNK, K)
    dstf = dst_flat.reshape(NW, EPT)
    Xp = jnp.pad(X, ((0, NP - N), (0, 0)))

    degp = _deg_kernel(dstf)

    hwa, hwb, dinv = pl.pallas_call(
        _dense_body,
        grid=(NP // BN,),
        in_specs=[
            pl.BlockSpec((BN, DIN), lambda i: (i, 0)),
            pl.BlockSpec((DIN, DIN), lambda i: (0, 0)),
            pl.BlockSpec((1, DIN), lambda i: (0, 0)),
            pl.BlockSpec((DIN, DIN), lambda i: (0, 0)),
            pl.BlockSpec((NW, BN), lambda i: (0, i)),
        ],
        out_specs=[
            pl.BlockSpec((BN, DH), lambda i: (i, 0)),
            pl.BlockSpec((BN, DH), lambda i: (i, 0)),
            pl.BlockSpec((1, BN), lambda i: (0, i)),
        ],
        out_shape=[
            jax.ShapeDtypeStruct((NP, DH), jnp.float32),
            jax.ShapeDtypeStruct((NP, DH), jnp.float32),
            jax.ShapeDtypeStruct((1, NP), jnp.float32),
        ],
    )(Xp, W1, b1.reshape(1, DIN), Wg, degp)

    pa, pb = _msg_kernel(hwa, hwb, srcp, dstp)

    out = pl.pallas_call(
        _final_body,
        grid=(NP // BN,),
        in_specs=[
            pl.BlockSpec((NC, BN, DH), lambda i: (0, i, 0)),
            pl.BlockSpec((NC, BN, DH), lambda i: (0, i, 0)),
            pl.BlockSpec((1, BN), lambda i: (0, i)),
            pl.BlockSpec((1, DIN), lambda i: (0, 0)),
            pl.BlockSpec((DIN, C), lambda i: (0, 0)),
            pl.BlockSpec((1, C), lambda i: (0, 0)),
        ],
        out_specs=pl.BlockSpec((BN, C), lambda i: (i, 0)),
        out_shape=jax.ShapeDtypeStruct((N, C), jnp.float32),
    )(pa, pb, dinv, bg.reshape(1, DIN), Wc, bc.reshape(1, C))

    return out

# --- scband reference (transcript-rebuilt; emitter-appended) ---
"""Pipeline reference for scband-gcnpost-aggregation-59339268161754 (READ-ONLY COPY).

The authoritative reference and input builder live on the scoring server;
editing this copy changes nothing except your own understanding.
"""

import jax, jax.numpy as jnp
import numpy as np

N = 10000
E = 160000
IN_DIM = 256
H1 = 256
H2 = 256
C = 40

def _glorot(key, shape):
    fan_in, fan_out = shape[0], shape[1]
    limit = np.sqrt(6.0 / (fan_in + fan_out))
    return jax.random.uniform(key, shape, dtype=jnp.float32, minval=-limit, maxval=limit)

def setup_inputs(seed: int = 0) -> dict:
    key = jax.random.key(seed)
    ks = jax.random.split(key, 8)
    X = jax.random.normal(ks[0], (N, IN_DIM), dtype=jnp.float32)
    edge_index = jax.random.randint(ks[1], (2, E), 0, N, dtype=jnp.int32)
    W1 = _glorot(ks[2], (IN_DIM, H1))
    b1 = jnp.zeros((H1,), dtype=jnp.float32)
    Wg = _glorot(ks[3], (H1, H2))
    bg = jnp.zeros((H2,), dtype=jnp.float32)
    Wc = _glorot(ks[4], (H2, C))
    bc = jnp.zeros((C,), dtype=jnp.float32)
    return {"X": X, "edge_index": edge_index, "W1": W1, "b1": b1, "Wg": Wg, "bg": bg, "Wc": Wc, "bc": bc}

def reference(X, edge_index, W1, b1, Wg, bg, Wc, bc):
    # lin1 + relu
    h = jax.nn.relu(X @ W1 + b1)
    # GCNConv: add self-loops, symmetric normalization, linear transform, scatter-add
    src = edge_index[0]
    dst = edge_index[1]
    loop = jnp.arange(N, dtype=src.dtype)
    src2 = jnp.concatenate([src, loop])
    dst2 = jnp.concatenate([dst, loop])
    deg = jax.ops.segment_sum(jnp.ones_like(dst2, dtype=h.dtype), dst2, num_segments=N)
    dinv = jnp.where(deg > 0, 1.0 / jnp.sqrt(deg), 0.0)
    norm = dinv[src2] * dinv[dst2]
    hw = h @ Wg
    msg = hw[src2] * norm[:, None]
    agg = jax.ops.segment_sum(msg, dst2, num_segments=N) + bg
    h2 = jax.nn.relu(agg)
    # classifier
    return h2 @ Wc + bc

if __name__ == "__main__":
    import jax
    _d = setup_inputs()
    print(jax.jit(kernel)(*tuple(_d.values())))

</pallas_src>

<mosaic_0001>
#map = affine_map<(d0, d1) -> (0, 0)>
#map1 = affine_map<(d0, d1) -> (0, 0, 0)>
module attributes {stable_mosaic.version = 14 : i64} {
  func.func @_msg_body(%arg0: i32, %arg1: i32, %arg2: memref<10240x128xf32, #tpu.memory_space<hbm>>, %arg3: memref<10240x128xf32, #tpu.memory_space<hbm>>, %arg4: memref<32x42x128xi32, #tpu.memory_space<hbm>>, %arg5: memref<32x42x128xi32, #tpu.memory_space<hbm>>, %arg6: memref<2x10240x128xf32, #tpu.memory_space<hbm>>, %arg7: memref<2x10240x128xf32, #tpu.memory_space<hbm>>, %arg8: memref<42x128xi32, #tpu.memory_space<vmem>>, %arg9: memref<42x128xi32, #tpu.memory_space<vmem>>, %arg10: memref<128x128xf32, #tpu.memory_space<vmem>>, %arg11: memref<128x128xf32, #tpu.memory_space<vmem>>, %arg12: memref<16x128xf32, #tpu.memory_space<vmem>>, %arg13: memref<10240x128xf32, #tpu.memory_space<vmem_shared>>, %arg14: memref<!tpu.dma_semaphore, #tpu.memory_space<semaphore_mem>>, %arg15: memref<!tpu.dma_semaphore, #tpu.memory_space<semaphore_mem>>, %arg16: memref<!tpu.dma_semaphore, #tpu.memory_space<semaphore_mem>>, %arg17: memref<!tpu.dma_semaphore, #tpu.memory_space<semaphore_mem>>) attributes {dimension_semantics = [#tpu.dimension_semantics<core_parallel>, #tpu.dimension_semantics<subcore_parallel>], iteration_bounds = array<i64: 2, 16>, scalar_prefetch = 0 : i64, scratch_operands = 10 : i64, tpu.core_type = #tpu.core_type<sc_vector_subcore>, window_params = [{transform_indices = #map}, {transform_indices = #map}, {transform_indices = #map1}, {transform_indices = #map1}, {transform_indices = #map1}, {transform_indices = #map1}]} {
    %mul3A = arith.constant 16 : i32
    %mul3A_0 = arith.muli %arg0, %mul3A : i32
    %add3A = arith.addi %mul3A_0, %arg1 : i32
    "tpu.region"() ({
      %run_scoped3A = tpu.sem_alloc : memref<!tpu.dma_semaphore, #tpu.memory_space<semaphore_mem>>
      %dma_start3A_62 = arith.constant 0 : i32
      %dma_start3A_63 = arith.constant 0 : i32
      %dma_start3A_64 = tpu.memref_slice %arg4[%add3A, %dma_start3A_62, %dma_start3A_63] : memref<32x42x128xi32, #tpu.memory_space<hbm>> -> memref<1x42x128xi32, #tpu.memory_space<hbm>>
      %dma_start3A_65 = tpu.memref_squeeze %dma_start3A_64 : memref<1x42x128xi32, #tpu.memory_space<hbm>> -> memref<42x128xi32, #tpu.memory_space<hbm>>
      %dma_start3A_66 = arith.constant 0 : i32
      %dma_start3A_67 = arith.constant 0 : i32
      %dma_start3A_68 = tpu.memref_slice %arg4[%add3A, %dma_start3A_66, %dma_start3A_67] : memref<32x42x128xi32, #tpu.memory_space<hbm>> -> memref<1x42x128xi32, #tpu.memory_space<hbm>>
      %dma_start3A_69 = tpu.memref_squeeze %dma_start3A_68 : memref<1x42x128xi32, #tpu.memory_space<hbm>> -> memref<42x128xi32, #tpu.memory_space<hbm>>
      tpu.enqueue_dma source(%dma_start3A_69 : memref<42x128xi32, #tpu.memory_space<hbm>>) target(%arg8 : memref<42x128xi32, #tpu.memory_space<vmem>>) target_semaphore(%run_scoped3A : memref<!tpu.dma_semaphore, #tpu.memory_space<semaphore_mem>>)
      %dma_wait3A_70 = arith.constant 0 : i32
      %dma_wait3A_71 = arith.constant 0 : i32
      %dma_wait3A_72 = tpu.memref_slice %arg4[%add3A, %dma_wait3A_70, %dma_wait3A_71] : memref<32x42x128xi32, #tpu.memory_space<hbm>> -> memref<1x42x128xi32, #tpu.memory_space<hbm>>
      %dma_wait3A_73 = tpu.memref_squeeze %dma_wait3A_72 : memref<1x42x128xi32, #tpu.memory_space<hbm>> -> memref<42x128xi32, #tpu.memory_space<hbm>>
      %dma_wait3A_74 = arith.constant 0 : i32
      %dma_wait3A_75 = arith.constant 0 : i32
      %dma_wait3A_76 = tpu.memref_slice %arg4[%add3A, %dma_wait3A_74, %dma_wait3A_75] : memref<32x42x128xi32, #tpu.memory_space<hbm>> -> memref<1x42x128xi32, #tpu.memory_space<hbm>>
      %dma_wait3A_77 = tpu.memref_squeeze %dma_wait3A_76 : memref<1x42x128xi32, #tpu.memory_space<hbm>> -> memref<42x128xi32, #tpu.memory_space<hbm>>
      tpu.wait_dma2 semaphore(%run_scoped3A : memref<!tpu.dma_semaphore, #tpu.memory_space<semaphore_mem>>) src(%dma_wait3A_77 : memref<42x128xi32, #tpu.memory_space<hbm>>) dst(%arg8 : memref<42x128xi32, #tpu.memory_space<vmem>>)
      tpu.yield
    }) : () -> ()
    "tpu.region"() ({
      %run_scoped3A = tpu.sem_alloc : memref<!tpu.dma_semaphore, #tpu.memory_space<semaphore_mem>>
      %dma_start3A_62 = arith.constant 0 : i32
      %dma_start3A_63 = arith.constant 0 : i32
      %dma_start3A_64 = tpu.memref_slice %arg5[%add3A, %dma_start3A_62, %dma_start3A_63] : memref<32x42x128xi32, #tpu.memory_space<hbm>> -> memref<1x42x128xi32, #tpu.memory_space<hbm>>
      %dma_start3A_65 = tpu.memref_squeeze %dma_start3A_64 : memref<1x42x128xi32, #tpu.memory_space<hbm>> -> memref<42x128xi32, #tpu.memory_space<hbm>>
      %dma_start3A_66 = arith.constant 0 : i32
      %dma_start3A_67 = arith.constant 0 : i32
      %dma_start3A_68 = tpu.memref_slice %arg5[%add3A, %dma_start3A_66, %dma_start3A_67] : memref<32x42x128xi32, #tpu.memory_space<hbm>> -> memref<1x42x128xi32, #tpu.memory_space<hbm>>
      %dma_start3A_69 = tpu.memref_squeeze %dma_start3A_68 : memref<1x42x128xi32, #tpu.memory_space<hbm>> -> memref<42x128xi32, #tpu.memory_space<hbm>>
      tpu.enqueue_dma source(%dma_start3A_69 : memref<42x128xi32, #tpu.memory_space<hbm>>) target(%arg9 : memref<42x128xi32, #tpu.memory_space<vmem>>) target_semaphore(%run_scoped3A : memref<!tpu.dma_semaphore, #tpu.memory_space<semaphore_mem>>)
      %dma_wait3A_70 = arith.constant 0 : i32
      %dma_wait3A_71 = arith.constant 0 : i32
      %dma_wait3A_72 = tpu.memref_slice %arg5[%add3A, %dma_wait3A_70, %dma_wait3A_71] : memref<32x42x128xi32, #tpu.memory_space<hbm>> -> memref<1x42x128xi32, #tpu.memory_space<hbm>>
      %dma_wait3A_73 = tpu.memref_squeeze %dma_wait3A_72 : memref<1x42x128xi32, #tpu.memory_space<hbm>> -> memref<42x128xi32, #tpu.memory_space<hbm>>
      %dma_wait3A_74 = arith.constant 0 : i32
      %dma_wait3A_75 = arith.constant 0 : i32
      %dma_wait3A_76 = tpu.memref_slice %arg5[%add3A, %dma_wait3A_74, %dma_wait3A_75] : memref<32x42x128xi32, #tpu.memory_space<hbm>> -> memref<1x42x128xi32, #tpu.memory_space<hbm>>
      %dma_wait3A_77 = tpu.memref_squeeze %dma_wait3A_76 : memref<1x42x128xi32, #tpu.memory_space<hbm>> -> memref<42x128xi32, #tpu.memory_space<hbm>>
      tpu.wait_dma2 semaphore(%run_scoped3A : memref<!tpu.dma_semaphore, #tpu.memory_space<semaphore_mem>>) src(%dma_wait3A_77 : memref<42x128xi32, #tpu.memory_space<hbm>>) dst(%arg9 : memref<42x128xi32, #tpu.memory_space<vmem>>)
      tpu.yield
    }) : () -> ()
    %scan3A = arith.constant 0 : i32
    %scan3A_1 = arith.constant 16 : i32
    %scan3A_2 = arith.addi %scan3A, %scan3A_1 : i32
    %scan3A_3 = arith.constant 1 : i32
    scf.for %scan3A_62 = %scan3A to %scan3A_2 step %scan3A_3  : i32 {
      %mul3A_63 = arith.constant 1 : i32
      %mul3A_64 = arith.muli %scan3A_62, %mul3A_63 : i32
      %add3A_65 = arith.constant 0 : i32
      %add3A_66 = arith.addi %add3A_65, %mul3A_64 : i32
      %scan3A_67 = arith.constant 0 : i32
      %scan3A_68 = arith.constant 8 : i32
      %scan3A_69 = arith.addi %scan3A_67, %scan3A_68 : i32
      %scan3A_70 = arith.constant 1 : i32
      scf.for %scan3A_72 = %scan3A_67 to %scan3A_69 step %scan3A_70  : i32 {
        %mul3A_73 = arith.constant 16 : i32
        %mul3A_74 = arith.muli %scan3A_72, %mul3A_73 : i32
        %add3A_75 = arith.constant 0 : i32
        %add3A_76 = arith.addi %add3A_75, %mul3A_74 : i32
        %broadcast_in_dim3A = arith.constant 0.000000e+00 : f32
        %broadcast_in_dim3A_77 = vector.broadcast %broadcast_in_dim3A : f32 to vector<16xf32>
        %swap3A = arith.index_cast %add3A_66 : i32 to index
        %swap3A_78 = arith.index_cast %add3A_76 : i32 to index
        %swap3A_79 = tpu.vector_load %arg12[%swap3A, %swap3A_78] {strides = array<i32>} : memref<16x128xf32, #tpu.memory_space<vmem>>, vector<1x16xf32>,
        %swap3A_80 = vector.shape_cast %swap3A_79 : vector<1x16xf32> to vector<16xf32>
        %swap3A_81 = vector.shape_cast %broadcast_in_dim3A_77 : vector<16xf32> to vector<1x16xf32>
        tpu.vector_store %arg12[%swap3A, %swap3A_78], %swap3A_81 {strides = array<i32>} : memref<16x128xf32, #tpu.memory_space<vmem>>, vector<1x16xf32>,
      }
      %scan3A_71 = arith.constant 8 : i32
    }
    %scan3A_4 = arith.constant 16 : i32
    %scan3A_5 = arith.constant 0 : i32
    %scan3A_6 = arith.constant 40 : i32
    %scan3A_7 = arith.addi %scan3A_5, %scan3A_6 : i32
    %scan3A_8 = arith.constant 1 : i32
    scf.for %scan3A_62 = %scan3A_5 to %scan3A_7 step %scan3A_8  : i32 {
      %mul3A_63 = arith.constant 16 : i32
      %mul3A_64 = arith.muli %scan3A_62, %mul3A_63 : i32
      %add3A_65 = arith.constant 0 : i32
      %add3A_66 = arith.addi %add3A_65, %mul3A_64 : i32
      %mul3A_67 = arith.constant 640 : i32
      %mul3A_68 = arith.muli %arg1, %mul3A_67 : i32
      %add3A_69 = arith.addi %mul3A_68, %add3A_66 : i32
      "tpu.region"() ({
        %run_scoped3A = tpu.sem_alloc : memref<!tpu.dma_semaphore, #tpu.memory_space<semaphore_mem>>
        %dma_start3A_70 = arith.constant 0 : i32
        %dma_start3A_71 = tpu.memref_slice %arg13[%add3A_69, %dma_start3A_70] : memref<10240x128xf32, #tpu.memory_space<vmem_shared>> -> memref<16x128xf32, #tpu.memory_space<vmem_shared>>
        %dma_start3A_72 = arith.constant 0 : i32
        %dma_start3A_73 = tpu.memref_slice %arg13[%add3A_69, %dma_start3A_72] : memref<10240x128xf32, #tpu.memory_space<vmem_shared>> -> memref<16x128xf32, #tpu.memory_space<vmem_shared>>
        tpu.enqueue_dma source(%arg12 : memref<16x128xf32, #tpu.memory_space<vmem>>) target(%dma_start3A_73 : memref<16x128xf32, #tpu.memory_space<vmem_shared>>) target_semaphore(%run_scoped3A : memref<!tpu.dma_semaphore, #tpu.memory_space<semaphore_mem>>)
        %dma_wait3A_74 = arith.constant 0 : i32
        %dma_wait3A_75 = tpu.memref_slice %arg13[%add3A_69, %dma_wait3A_74] : memref<10240x128xf32, #tpu.memory_space<vmem_shared>> -> memref<16x128xf32, #tpu.memory_space<vmem_shared>>
        %dma_wait3A_76 = arith.constant 0 : i32
        %dma_wait3A_77 = tpu.memref_slice %arg13[%add3A_69, %dma_wait3A_76] : memref<10240x128xf32, #tpu.memory_space<vmem_shared>> -> memref<16x128xf32, #tpu.memory_space<vmem_shared>>
        tpu.wait_dma2 semaphore(%run_scoped3A : memref<!tpu.dma_semaphore, #tpu.memory_space<semaphore_mem>>) src(%arg12 : memref<16x128xf32, #tpu.memory_space<vmem>>) dst(%dma_wait3A_77 : memref<16x128xf32, #tpu.memory_space<vmem_shared>>)
        tpu.yield
      }) : () -> ()
    }
    %scan3A_9 = arith.constant 40 : i32
    %barrier3A = arith.constant 0 : index
    tpu.barrier barrier_id(%barrier3A)
    %dma_start3A = arith.constant 0 : i32
    %dma_start3A_10 = arith.constant 0 : i32
    %dma_start3A_11 = tpu.memref_slice %arg8[%dma_start3A, %dma_start3A_10] : memref<42x128xi32, #tpu.memory_space<vmem>> -> memref<1x128xi32, #tpu.memory_space<vmem>>
    %dma_start3A_12 = tpu.memref_squeeze %dma_start3A_11 : memref<1x128xi32, #tpu.memory_space<vmem>> -> memref<128xi32, #tpu.memory_space<vmem>>
    %dma_start3A_13 = arith.constant 0 : i32
    %dma_start3A_14 = arith.constant 0 : i32
    %dma_start3A_15 = tpu.memref_slice %arg2[%dma_start3A_13, %dma_start3A_14] : memref<10240x128xf32, #tpu.memory_space<hbm>> -> memref<10240x128xf32, #tpu.memory_space<hbm>>
    tpu.enqueue_indirect_dma source(%dma_start3A_15 : memref<10240x128xf32, #tpu.memory_space<hbm>>) target(%arg10 : memref<128x128xf32, #tpu.memory_space<vmem>>) offsets(%dma_start3A_12 : memref<128xi32, #tpu.memory_space<vmem>>) semaphore(%arg14 : memref<!tpu.dma_semaphore, #tpu.memory_space<semaphore_mem>>)
    %scan3A_16 = arith.constant 0 : i32
    %scan3A_17 = arith.constant 21 : i32
    %scan3A_18 = arith.addi %scan3A_16, %scan3A_17 : i32
    %scan3A_19 = arith.constant 1 : i32
    scf.for %scan3A_62 = %scan3A_16 to %scan3A_18 step %scan3A_19  : i32 {
      %mul3A_63 = arith.constant 2 : i32
      %mul3A_64 = arith.muli %scan3A_62, %mul3A_63 : i32
      %add3A_65 = arith.constant 0 : i32
      %add3A_66 = arith.addi %add3A_65, %mul3A_64 : i32
      %dma_wait3A_67 = arith.constant 0 : i32
      %dma_wait3A_68 = tpu.memref_slice %arg8[%add3A_66, %dma_wait3A_67] : memref<42x128xi32, #tpu.memory_space<vmem>> -> memref<1x128xi32, #tpu.memory_space<vmem>>
      %dma_wait3A_69 = tpu.memref_squeeze %dma_wait3A_68 : memref<1x128xi32, #tpu.memory_space<vmem>> -> memref<128xi32, #tpu.memory_space<vmem>>
      %dma_wait3A_70 = arith.constant 0 : i32
      %dma_wait3A_71 = arith.constant 0 : i32
      %dma_wait3A_72 = tpu.memref_slice %arg2[%dma_wait3A_70, %dma_wait3A_71] : memref<10240x128xf32, #tpu.memory_space<hbm>> -> memref<10240x128xf32, #tpu.memory_space<hbm>>
      tpu.wait_indirect_dma semaphore(%arg14 : memref<!tpu.dma_semaphore, #tpu.memory_space<semaphore_mem>>) src(%dma_wait3A_72 : memref<10240x128xf32, #tpu.memory_space<hbm>>) dst(%arg10 : memref<128x128xf32, #tpu.memory_space<vmem>>)
      %gt3A = arith.constant 0 : i32
      %gt3A_73 = arith.cmpi sgt, %add3A_66, %gt3A : i32
      %convert_element_type3A = arith.extui %gt3A_73 : i1 to i32
      %cond3A = arith.constant 0 : i32
      %cond3A_74 = arith.cmpi ne, %convert_element_type3A, %cond3A : i32
      scf.if %cond3A_74 {
        %sub3A = arith.constant 1 : i32
        %sub3A_117 = arith.subi %add3A_66, %sub3A : i32
        %dma_wait3A_118 = arith.constant 0 : i32
        %dma_wait3A_119 = tpu.memref_slice %arg9[%sub3A_117, %dma_wait3A_118] : memref<42x128xi32, #tpu.memory_space<vmem>> -> memref<1x128xi32, #tpu.memory_space<vmem>>
        %dma_wait3A_120 = tpu.memref_squeeze %dma_wait3A_119 : memref<1x128xi32, #tpu.memory_space<vmem>> -> memref<128xi32, #tpu.memory_space<vmem>>
        %dma_wait3A_121 = arith.constant 0 : i32
        %dma_wait3A_122 = arith.constant 0 : i32
        %dma_wait3A_123 = tpu.memref_slice %arg13[%dma_wait3A_121, %dma_wait3A_122] : memref<10240x128xf32, #tpu.memory_space<vmem_shared>> -> memref<10240x128xf32, #tpu.memory_space<vmem_shared>>
        tpu.wait_indirect_dma semaphore(%arg17 : memref<!tpu.dma_semaphore, #tpu.memory_space<semaphore_mem>>) src(%arg11 : memref<128x128xf32, #tpu.memory_space<vmem>>) dst(%dma_wait3A_123 : memref<10240x128xf32, #tpu.memory_space<vmem_shared>>)
      } else {
      }
      %add3A_75 = arith.constant 1 : i32
      %add3A_76 = arith.addi %add3A_66, %add3A_75 : i32
      %dma_start3A_77 = arith.constant 0 : i32
      %dma_start3A_78 = tpu.memref_slice %arg8[%add3A_76, %dma_start3A_77] : memref<42x128xi32, #tpu.memory_space<vmem>> -> memref<1x128xi32, #tpu.memory_space<vmem>>
      %dma_start3A_79 = tpu.memref_squeeze %dma_start3A_78 : memref<1x128xi32, #tpu.memory_space<vmem>> -> memref<128xi32, #tpu.memory_space<vmem>>
      %dma_start3A_80 = arith.constant 0 : i32
      %dma_start3A_81 = arith.constant 0 : i32
      %dma_start3A_82 = tpu.memref_slice %arg2[%dma_start3A_80, %dma_start3A_81] : memref<10240x128xf32, #tpu.memory_space<hbm>> -> memref<10240x128xf32, #tpu.memory_space<hbm>>
      tpu.enqueue_indirect_dma source(%dma_start3A_82 : memref<10240x128xf32, #tpu.memory_space<hbm>>) target(%arg11 : memref<128x128xf32, #tpu.memory_space<vmem>>) offsets(%dma_start3A_79 : memref<128xi32, #tpu.memory_space<vmem>>) semaphore(%arg15 : memref<!tpu.dma_semaphore, #tpu.memory_space<semaphore_mem>>)
      %dma_start3A_83 = arith.constant 0 : i32
      %dma_start3A_84 = tpu.memref_slice %arg9[%add3A_66, %dma_start3A_83] : memref<42x128xi32, #tpu.memory_space<vmem>> -> memref<1x128xi32, #tpu.memory_space<vmem>>
      %dma_start3A_85 = tpu.memref_squeeze %dma_start3A_84 : memref<1x128xi32, #tpu.memory_space<vmem>> -> memref<128xi32, #tpu.memory_space<vmem>>
      %dma_start3A_86 = arith.constant 0 : i32
      %dma_start3A_87 = arith.constant 0 : i32
      %dma_start3A_88 = tpu.memref_slice %arg13[%dma_start3A_86, %dma_start3A_87] : memref<10240x128xf32, #tpu.memory_space<vmem_shared>> -> memref<10240x128xf32, #tpu.memory_space<vmem_shared>>
      tpu.enqueue_indirect_dma source(%arg10 : memref<128x128xf32, #tpu.memory_space<vmem>>) target(%dma_start3A_88 : memref<10240x128xf32, #tpu.memory_space<vmem_shared>>) offsets(%dma_start3A_85 : memref<128xi32, #tpu.memory_space<vmem>>) semaphore(%arg16 : memref<!tpu.dma_semaphore, #tpu.memory_space<semaphore_mem>>) {add = true}
      %add3A_89 = arith.constant 1 : i32
      %add3A_90 = arith.addi %add3A_66, %add3A_89 : i32
      %dma_wait3A_91 = arith.constant 0 : i32
      %dma_wait3A_92 = tpu.memref_slice %arg8[%add3A_90, %dma_wait3A_91] : memref<42x128xi32, #tpu.memory_space<vmem>> -> memref<1x128xi32, #tpu.memory_space<vmem>>
      %dma_wait3A_93 = tpu.memref_squeeze %dma_wait3A_92 : memref<1x128xi32, #tpu.memory_space<vmem>> -> memref<128xi32, #tpu.memory_space<vmem>>
      %dma_wait3A_94 = arith.constant 0 : i32
      %dma_wait3A_95 = arith.constant 0 : i32
      %dma_wait3A_96 = tpu.memref_slice %arg2[%dma_wait3A_94, %dma_wait3A_95] : memref<10240x128xf32, #tpu.memory_space<hbm>> -> memref<10240x128xf32, #tpu.memory_space<hbm>>
      tpu.wait_indirect_dma semaphore(%arg15 : memref<!tpu.dma_semaphore, #tpu.memory_space<semaphore_mem>>) src(%dma_wait3A_96 : memref<10240x128xf32, #tpu.memory_space<hbm>>) dst(%arg11 : memref<128x128xf32, #tpu.memory_space<vmem>>)
      %dma_wait3A_97 = arith.constant 0 : i32
      %dma_wait3A_98 = tpu.memref_slice %arg9[%add3A_66, %dma_wait3A_97] : memref<42x128xi32, #tpu.memory_space<vmem>> -> memref<1x128xi32, #tpu.memory_space<vmem>>
      %dma_wait3A_99 = tpu.memref_squeeze %dma_wait3A_98 : memref<1x128xi32, #tpu.memory_space<vmem>> -> memref<128xi32, #tpu.memory_space<vmem>>
      %dma_wait3A_100 = arith.constant 0 : i32
      %dma_wait3A_101 = arith.constant 0 : i32
      %dma_wait3A_102 = tpu.memref_slice %arg13[%dma_wait3A_100, %dma_wait3A_101] : memref<10240x128xf32, #tpu.memory_space<vmem_shared>> -> memref<10240x128xf32, #tpu.memory_space<vmem_shared>>
      tpu.wait_indirect_dma semaphore(%arg16 : memref<!tpu.dma_semaphore, #tpu.memory_space<semaphore_mem>>) src(%arg10 : memref<128x128xf32, #tpu.memory_space<vmem>>) dst(%dma_wait3A_102 : memref<10240x128xf32, #tpu.memory_space<vmem_shared>>)
      %add3A_103 = arith.constant 2 : i32
      %add3A_104 = arith.addi %add3A_66, %add3A_103 : i32
      %lt3A = arith.constant 42 : i32
      %lt3A_105 = arith.cmpi slt, %add3A_104, %lt3A : i32
      %convert_element_type3A_106 = arith.extui %lt3A_105 : i1 to i32
      %cond3A_107 = arith.constant 0 : i32
      %cond3A_108 = arith.cmpi ne, %convert_element_type3A_106, %cond3A_107 : i32
      scf.if %cond3A_108 {
        %add3A_117 = arith.constant 2 : i32
        %add3A_118 = arith.addi %add3A_66, %add3A_117 : i32
        %dma_start3A_119 = arith.constant 0 : i32
        %dma_start3A_120 = tpu.memref_slice %arg8[%add3A_118, %dma_start3A_119] : memref<42x128xi32, #tpu.memory_space<vmem>> -> memref<1x128xi32, #tpu.memory_space<vmem>>
        %dma_start3A_121 = tpu.memref_squeeze %dma_start3A_120 : memref<1x128xi32, #tpu.memory_space<vmem>> -> memref<128xi32, #tpu.memory_space<vmem>>
        %dma_start3A_122 = arith.constant 0 : i32
        %dma_start3A_123 = arith.constant 0 : i32
        %dma_start3A_124 = tpu.memref_slice %arg2[%dma_start3A_122, %dma_start3A_123] : memref<10240x128xf32, #tpu.memory_space<hbm>> -> memref<10240x128xf32, #tpu.memory_space<hbm>>
        tpu.enqueue_indirect_dma source(%dma_start3A_124 : memref<10240x128xf32, #tpu.memory_space<hbm>>) target(%arg10 : memref<128x128xf32, #tpu.memory_space<vmem>>) offsets(%dma_start3A_121 : memref<128xi32, #tpu.memory_space<vmem>>) semaphore(%arg14 : memref<!tpu.dma_semaphore, #tpu.memory_space<semaphore_mem>>)
      } else {
      }
      %add3A_109 = arith.constant 1 : i32
      %add3A_110 = arith.addi %add3A_66, %add3A_109 : i32
      %dma_start3A_111 = arith.constant 0 : i32
      %dma_start3A_112 = tpu.memref_slice %arg9[%add3A_110, %dma_start3A_111] : memref<42x128xi32, #tpu.memory_space<vmem>> -> memref<1x128xi32, #tpu.memory_space<vmem>>
      %dma_start3A_113 = tpu.memref_squeeze %dma_start3A_112 : memref<1x128xi32, #tpu.memory_space<vmem>> -> memref<128xi32, #tpu.memory_space<vmem>>
      %dma_start3A_114 = arith.constant 0 : i32
      %dma_start3A_115 = arith.constant 0 : i32
      %dma_start3A_116 = tpu.memref_slice %arg13[%dma_start3A_114, %dma_start3A_115] : memref<10240x128xf32, #tpu.memory_space<vmem_shared>> -> memref<10240x128xf32, #tpu.memory_space<vmem_shared>>
      tpu.enqueue_indirect_dma source(%arg11 : memref<128x128xf32, #tpu.memory_space<vmem>>) target(%dma_start3A_116 : memref<10240x128xf32, #tpu.memory_space<vmem_shared>>) offsets(%dma_start3A_113 : memref<128xi32, #tpu.memory_space<vmem>>) semaphore(%arg17 : memref<!tpu.dma_semaphore, #tpu.memory_space<semaphore_mem>>) {add = true}
    }
    %scan3A_20 = arith.constant 21 : i32
    %dma_wait3A = arith.constant 41 : i32
    %dma_wait3A_21 = arith.constant 0 : i32
    %dma_wait3A_22 = tpu.memref_slice %arg9[%dma_wait3A, %dma_wait3A_21] : memref<42x128xi32, #tpu.memory_space<vmem>> -> memref<1x128xi32, #tpu.memory_space<vmem>>
    %dma_wait3A_23 = tpu.memref_squeeze %dma_wait3A_22 : memref<1x128xi32, #tpu.memory_space<vmem>> -> memref<128xi32, #tpu.memory_space<vmem>>
    %dma_wait3A_24 = arith.constant 0 : i32
    %dma_wait3A_25 = arith.constant 0 : i32
    %dma_wait3A_26 = tpu.memref_slice %arg13[%dma_wait3A_24, %dma_wait3A_25] : memref<10240x128xf32, #tpu.memory_space<vmem_shared>> -> memref<10240x128xf32, #tpu.memory_space<vmem_shared>>
    tpu.wait_indirect_dma semaphore(%arg17 : memref<!tpu.dma_semaphore, #tpu.memory_space<semaphore_mem>>) src(%arg11 : memref<128x128xf32, #tpu.memory_space<vmem>>) dst(%dma_wait3A_26 : memref<10240x128xf32, #tpu.memory_space<vmem_shared>>)
    %barrier3A_27 = arith.constant 0 : index
    tpu.barrier barrier_id(%barrier3A_27)
    %mul3A_28 = arith.constant 640 : i32
    %mul3A_29 = arith.muli %arg1, %mul3A_28 : i32
    %mul3A_30 = arith.constant 640 : i32
    %mul3A_31 = arith.muli %arg1, %mul3A_30 : i32
    "tpu.region"() ({
      %run_scoped3A = tpu.sem_alloc : memref<!tpu.dma_semaphore, #tpu.memory_space<semaphore_mem>>
      %dma_start3A_62 = arith.constant 0 : i32
      %dma_start3A_63 = tpu.memref_slice %arg6[%arg0, %mul3A_31, %dma_start3A_62] : memref<2x10240x128xf32, #tpu.memory_space<hbm>> -> memref<1x640x128xf32, #tpu.memory_space<hbm>>
      %dma_start3A_64 = tpu.memref_squeeze %dma_start3A_63 : memref<1x640x128xf32, #tpu.memory_space<hbm>> -> memref<640x128xf32, #tpu.memory_space<hbm>>
      %dma_start3A_65 = arith.constant 0 : i32
      %dma_start3A_66 = tpu.memref_slice %arg13[%mul3A_29, %dma_start3A_65] : memref<10240x128xf32, #tpu.memory_space<vmem_shared>> -> memref<640x128xf32, #tpu.memory_space<vmem_shared>>
      tpu.enqueue_dma source(%dma_start3A_66 : memref<640x128xf32, #tpu.memory_space<vmem_shared>>) target(%dma_start3A_64 : memref<640x128xf32, #tpu.memory_space<hbm>>) target_semaphore(%run_scoped3A : memref<!tpu.dma_semaphore, #tpu.memory_space<semaphore_mem>>)
      %dma_wait3A_67 = arith.constant 0 : i32
      %dma_wait3A_68 = tpu.memref_slice %arg6[%arg0, %mul3A_31, %dma_wait3A_67] : memref<2x10240x128xf32, #tpu.memory_space<hbm>> -> memref<1x640x128xf32, #tpu.memory_space<hbm>>
      %dma_wait3A_69 = tpu.memref_squeeze %dma_wait3A_68 : memref<1x640x128xf32, #tpu.memory_space<hbm>> -> memref<640x128xf32, #tpu.memory_space<hbm>>
      %dma_wait3A_70 = arith.constant 0 : i32
      %dma_wait3A_71 = tpu.memref_slice %arg13[%mul3A_29, %dma_wait3A_70] : memref<10240x128xf32, #tpu.memory_space<vmem_shared>> -> memref<640x128xf32, #tpu.memory_space<vmem_shared>>
      tpu.wait_dma2 semaphore(%run_scoped3A : memref<!tpu.dma_semaphore, #tpu.memory_space<semaphore_mem>>) src(%dma_wait3A_71 : memref<640x128xf32, #tpu.memory_space<vmem_shared>>) dst(%dma_wait3A_69 : memref<640x128xf32, #tpu.memory_space<hbm>>)
      tpu.yield
    }) : () -> ()
    %scan3A_32 = arith.constant 0 : i32
    %scan3A_33 = arith.constant 40 : i32
    %scan3A_34 = arith.addi %scan3A_32, %scan3A_33 : i32
    %scan3A_35 = arith.constant 1 : i32
    scf.for %scan3A_62 = %scan3A_32 to %scan3A_34 step %scan3A_35  : i32 {
      %mul3A_63 = arith.constant 16 : i32
      %mul3A_64 = arith.muli %scan3A_62, %mul3A_63 : i32
      %add3A_65 = arith.constant 0 : i32
      %add3A_66 = arith.addi %add3A_65, %mul3A_64 : i32
      %mul3A_67 = arith.constant 640 : i32
      %mul3A_68 = arith.muli %arg1, %mul3A_67 : i32
      %add3A_69 = arith.addi %mul3A_68, %add3A_66 : i32
      "tpu.region"() ({
        %run_scoped3A = tpu.sem_alloc : memref<!tpu.dma_semaphore, #tpu.memory_space<semaphore_mem>>
        %dma_start3A_70 = arith.constant 0 : i32
        %dma_start3A_71 = tpu.memref_slice %arg13[%add3A_69, %dma_start3A_70] : memref<10240x128xf32, #tpu.memory_space<vmem_shared>> -> memref<16x128xf32, #tpu.memory_space<vmem_shared>>
        %dma_start3A_72 = arith.constant 0 : i32
        %dma_start3A_73 = tpu.memref_slice %arg13[%add3A_69, %dma_start3A_72] : memref<10240x128xf32, #tpu.memory_space<vmem_shared>> -> memref<16x128xf32, #tpu.memory_space<vmem_shared>>
        tpu.enqueue_dma source(%arg12 : memref<16x128xf32, #tpu.memory_space<vmem>>) target(%dma_start3A_73 : memref<16x128xf32, #tpu.memory_space<vmem_shared>>) target_semaphore(%run_scoped3A : memref<!tpu.dma_semaphore, #tpu.memory_space<semaphore_mem>>)
        %dma_wait3A_74 = arith.constant 0 : i32
        %dma_wait3A_75 = tpu.memref_slice %arg13[%add3A_69, %dma_wait3A_74] : memref<10240x128xf32, #tpu.memory_space<vmem_shared>> -> memref<16x128xf32, #tpu.memory_space<vmem_shared>>
        %dma_wait3A_76 = arith.constant 0 : i32
        %dma_wait3A_77 = tpu.memref_slice %arg13[%add3A_69, %dma_wait3A_76] : memref<10240x128xf32, #tpu.memory_space<vmem_shared>> -> memref<16x128xf32, #tpu.memory_space<vmem_shared>>
        tpu.wait_dma2 semaphore(%run_scoped3A : memref<!tpu.dma_semaphore, #tpu.memory_space<semaphore_mem>>) src(%arg12 : memref<16x128xf32, #tpu.memory_space<vmem>>) dst(%dma_wait3A_77 : memref<16x128xf32, #tpu.memory_space<vmem_shared>>)
        tpu.yield
      }) : () -> ()
    }
    %scan3A_36 = arith.constant 40 : i32
    %barrier3A_37 = arith.constant 0 : index
    tpu.barrier barrier_id(%barrier3A_37)
    %dma_start3A_38 = arith.constant 0 : i32
    %dma_start3A_39 = arith.constant 0 : i32
    %dma_start3A_40 = tpu.memref_slice %arg8[%dma_start3A_38, %dma_start3A_39] : memref<42x128xi32, #tpu.memory_space<vmem>> -> memref<1x128xi32, #tpu.memory_space<vmem>>
    %dma_start3A_41 = tpu.memref_squeeze %dma_start3A_40 : memref<1x128xi32, #tpu.memory_space<vmem>> -> memref<128xi32, #tpu.memory_space<vmem>>
    %dma_start3A_42 = arith.constant 0 : i32
    %dma_start3A_43 = arith.constant 0 : i32
    %dma_start3A_44 = tpu.memref_slice %arg3[%dma_start3A_42, %dma_start3A_43] : memref<10240x128xf32, #tpu.memory_space<hbm>> -> memref<10240x128xf32, #tpu.memory_space<hbm>>
    tpu.enqueue_indirect_dma source(%dma_start3A_44 : memref<10240x128xf32, #tpu.memory_space<hbm>>) target(%arg10 : memref<128x128xf32, #tpu.memory_space<vmem>>) offsets(%dma_start3A_41 : memref<128xi32, #tpu.memory_space<vmem>>) semaphore(%arg14 : memref<!tpu.dma_semaphore, #tpu.memory_space<semaphore_mem>>)
    %scan3A_45 = arith.constant 0 : i32
    %scan3A_46 = arith.constant 21 : i32
    %scan3A_47 = arith.addi %scan3A_45, %scan3A_46 : i32
    %scan3A_48 = arith.constant 1 : i32
    scf.for %scan3A_62 = %scan3A_45 to %scan3A_47 step %scan3A_48  : i32 {
      %mul3A_63 = arith.constant 2 : i32
      %mul3A_64 = arith.muli %scan3A_62, %mul3A_63 : i32
      %add3A_65 = arith.constant 0 : i32
      %add3A_66 = arith.addi %add3A_65, %mul3A_64 : i32
      %dma_wait3A_67 = arith.constant 0 : i32
      %dma_wait3A_68 = tpu.memref_slice %arg8[%add3A_66, %dma_wait3A_67] : memref<42x128xi32, #tpu.memory_space<vmem>> -> memref<1x128xi32, #tpu.memory_space<vmem>>
      %dma_wait3A_69 = tpu.memref_squeeze %dma_wait3A_68 : memref<1x128xi32, #tpu.memory_space<vmem>> -> memref<128xi32, #tpu.memory_space<vmem>>
      %dma_wait3A_70 = arith.constant 0 : i32
      %dma_wait3A_71 = arith.constant 0 : i32
      %dma_wait3A_72 = tpu.memref_slice %arg3[%dma_wait3A_70, %dma_wait3A_71] : memref<10240x128xf32, #tpu.memory_space<hbm>> -> memref<10240x128xf32, #tpu.memory_space<hbm>>
      tpu.wait_indirect_dma semaphore(%arg14 : memref<!tpu.dma_semaphore, #tpu.memory_space<semaphore_mem>>) src(%dma_wait3A_72 : memref<10240x128xf32, #tpu.memory_space<hbm>>) dst(%arg10 : memref<128x128xf32, #tpu.memory_space<vmem>>)
      %gt3A = arith.constant 0 : i32
      %gt3A_73 = arith.cmpi sgt, %add3A_66, %gt3A : i32
      %convert_element_type3A = arith.extui %gt3A_73 : i1 to i32
      %cond3A = arith.constant 0 : i32
      %cond3A_74 = arith.cmpi ne, %convert_element_type3A, %cond3A : i32
      scf.if %cond3A_74 {
        %sub3A = arith.constant 1 : i32
        %sub3A_117 = arith.subi %add3A_66, %sub3A : i32
        %dma_wait3A_118 = arith.constant 0 : i32
        %dma_wait3A_119 = tpu.memref_slice %arg9[%sub3A_117, %dma_wait3A_118] : memref<42x128xi32, #tpu.memory_space<vmem>> -> memref<1x128xi32, #tpu.memory_space<vmem>>
        %dma_wait3A_120 = tpu.memref_squeeze %dma_wait3A_119 : memref<1x128xi32, #tpu.memory_space<vmem>> -> memref<128xi32, #tpu.memory_space<vmem>>
        %dma_wait3A_121 = arith.constant 0 : i32
        %dma_wait3A_122 = arith.constant 0 : i32
        %dma_wait3A_123 = tpu.memref_slice %arg13[%dma_wait3A_121, %dma_wait3A_122] : memref<10240x128xf32, #tpu.memory_space<vmem_shared>> -> memref<10240x128xf32, #tpu.memory_space<vmem_shared>>
        tpu.wait_indirect_dma semaphore(%arg17 : memref<!tpu.dma_semaphore, #tpu.memory_space<semaphore_mem>>) src(%arg11 : memref<128x128xf32, #tpu.memory_space<vmem>>) dst(%dma_wait3A_123 : memref<10240x128xf32, #tpu.memory_space<vmem_shared>>)
      } else {
      }
      %add3A_75 = arith.constant 1 : i32
      %add3A_76 = arith.addi %add3A_66, %add3A_75 : i32
      %dma_start3A_77 = arith.constant 0 : i32
      %dma_start3A_78 = tpu.memref_slice %arg8[%add3A_76, %dma_start3A_77] : memref<42x128xi32, #tpu.memory_space<vmem>> -> memref<1x128xi32, #tpu.memory_space<vmem>>
      %dma_start3A_79 = tpu.memref_squeeze %dma_start3A_78 : memref<1x128xi32, #tpu.memory_space<vmem>> -> memref<128xi32, #tpu.memory_space<vmem>>
      %dma_start3A_80 = arith.constant 0 : i32
      %dma_start3A_81 = arith.constant 0 : i32
      %dma_start3A_82 = tpu.memref_slice %arg3[%dma_start3A_80, %dma_start3A_81] : memref<10240x128xf32, #tpu.memory_space<hbm>> -> memref<10240x128xf32, #tpu.memory_space<hbm>>
      tpu.enqueue_indirect_dma source(%dma_start3A_82 : memref<10240x128xf32, #tpu.memory_space<hbm>>) target(%arg11 : memref<128x128xf32, #tpu.memory_space<vmem>>) offsets(%dma_start3A_79 : memref<128xi32, #tpu.memory_space<vmem>>) semaphore(%arg15 : memref<!tpu.dma_semaphore, #tpu.memory_space<semaphore_mem>>)
      %dma_start3A_83 = arith.constant 0 : i32
      %dma_start3A_84 = tpu.memref_slice %arg9[%add3A_66, %dma_start3A_83] : memref<42x128xi32, #tpu.memory_space<vmem>> -> memref<1x128xi32, #tpu.memory_space<vmem>>
      %dma_start3A_85 = tpu.memref_squeeze %dma_start3A_84 : memref<1x128xi32, #tpu.memory_space<vmem>> -> memref<128xi32, #tpu.memory_space<vmem>>
      %dma_start3A_86 = arith.constant 0 : i32
      %dma_start3A_87 = arith.constant 0 : i32
      %dma_start3A_88 = tpu.memref_slice %arg13[%dma_start3A_86, %dma_start3A_87] : memref<10240x128xf32, #tpu.memory_space<vmem_shared>> -> memref<10240x128xf32, #tpu.memory_space<vmem_shared>>
      tpu.enqueue_indirect_dma source(%arg10 : memref<128x128xf32, #tpu.memory_space<vmem>>) target(%dma_start3A_88 : memref<10240x128xf32, #tpu.memory_space<vmem_shared>>) offsets(%dma_start3A_85 : memref<128xi32, #tpu.memory_space<vmem>>) semaphore(%arg16 : memref<!tpu.dma_semaphore, #tpu.memory_space<semaphore_mem>>) {add = true}
      %add3A_89 = arith.constant 1 : i32
      %add3A_90 = arith.addi %add3A_66, %add3A_89 : i32
      %dma_wait3A_91 = arith.constant 0 : i32
      %dma_wait3A_92 = tpu.memref_slice %arg8[%add3A_90, %dma_wait3A_91] : memref<42x128xi32, #tpu.memory_space<vmem>> -> memref<1x128xi32, #tpu.memory_space<vmem>>
      %dma_wait3A_93 = tpu.memref_squeeze %dma_wait3A_92 : memref<1x128xi32, #tpu.memory_space<vmem>> -> memref<128xi32, #tpu.memory_space<vmem>>
      %dma_wait3A_94 = arith.constant 0 : i32
      %dma_wait3A_95 = arith.constant 0 : i32
      %dma_wait3A_96 = tpu.memref_slice %arg3[%dma_wait3A_94, %dma_wait3A_95] : memref<10240x128xf32, #tpu.memory_space<hbm>> -> memref<10240x128xf32, #tpu.memory_space<hbm>>
      tpu.wait_indirect_dma semaphore(%arg15 : memref<!tpu.dma_semaphore, #tpu.memory_space<semaphore_mem>>) src(%dma_wait3A_96 : memref<10240x128xf32, #tpu.memory_space<hbm>>) dst(%arg11 : memref<128x128xf32, #tpu.memory_space<vmem>>)
      %dma_wait3A_97 = arith.constant 0 : i32
      %dma_wait3A_98 = tpu.memref_slice %arg9[%add3A_66, %dma_wait3A_97] : memref<42x128xi32, #tpu.memory_space<vmem>> -> memref<1x128xi32, #tpu.memory_space<vmem>>
      %dma_wait3A_99 = tpu.memref_squeeze %dma_wait3A_98 : memref<1x128xi32, #tpu.memory_space<vmem>> -> memref<128xi32, #tpu.memory_space<vmem>>
      %dma_wait3A_100 = arith.constant 0 : i32
      %dma_wait3A_101 = arith.constant 0 : i32
      %dma_wait3A_102 = tpu.memref_slice %arg13[%dma_wait3A_100, %dma_wait3A_101] : memref<10240x128xf32, #tpu.memory_space<vmem_shared>> -> memref<10240x128xf32, #tpu.memory_space<vmem_shared>>
      tpu.wait_indirect_dma semaphore(%arg16 : memref<!tpu.dma_semaphore, #tpu.memory_space<semaphore_mem>>) src(%arg10 : memref<128x128xf32, #tpu.memory_space<vmem>>) dst(%dma_wait3A_102 : memref<10240x128xf32, #tpu.memory_space<vmem_shared>>)
      %add3A_103 = arith.constant 2 : i32
      %add3A_104 = arith.addi %add3A_66, %add3A_103 : i32
      %lt3A = arith.constant 42 : i32
      %lt3A_105 = arith.cmpi slt, %add3A_104, %lt3A : i32
      %convert_element_type3A_106 = arith.extui %lt3A_105 : i1 to i32
      %cond3A_107 = arith.constant 0 : i32
      %cond3A_108 = arith.cmpi ne, %convert_element_type3A_106, %cond3A_107 : i32
      scf.if %cond3A_108 {
        %add3A_117 = arith.constant 2 : i32
        %add3A_118 = arith.addi %add3A_66, %add3A_117 : i32
        %dma_start3A_119 = arith.constant 0 : i32
        %dma_start3A_120 = tpu.memref_slice %arg8[%add3A_118, %dma_start3A_119] : memref<42x128xi32, #tpu.memory_space<vmem>> -> memref<1x128xi32, #tpu.memory_space<vmem>>
        %dma_start3A_121 = tpu.memref_squeeze %dma_start3A_120 : memref<1x128xi32, #tpu.memory_space<vmem>> -> memref<128xi32, #tpu.memory_space<vmem>>
        %dma_start3A_122 = arith.constant 0 : i32
        %dma_start3A_123 = arith.constant 0 : i32
        %dma_start3A_124 = tpu.memref_slice %arg3[%dma_start3A_122, %dma_start3A_123] : memref<10240x128xf32, #tpu.memory_space<hbm>> -> memref<10240x128xf32, #tpu.memory_space<hbm>>
        tpu.enqueue_indirect_dma source(%dma_start3A_124 : memref<10240x128xf32, #tpu.memory_space<hbm>>) target(%arg10 : memref<128x128xf32, #tpu.memory_space<vmem>>) offsets(%dma_start3A_121 : memref<128xi32, #tpu.memory_space<vmem>>) semaphore(%arg14 : memref<!tpu.dma_semaphore, #tpu.memory_space<semaphore_mem>>)
      } else {
      }
      %add3A_109 = arith.constant 1 : i32
      %add3A_110 = arith.addi %add3A_66, %add3A_109 : i32
      %dma_start3A_111 = arith.constant 0 : i32
      %dma_start3A_112 = tpu.memref_slice %arg9[%add3A_110, %dma_start3A_111] : memref<42x128xi32, #tpu.memory_space<vmem>> -> memref<1x128xi32, #tpu.memory_space<vmem>>
      %dma_start3A_113 = tpu.memref_squeeze %dma_start3A_112 : memref<1x128xi32, #tpu.memory_space<vmem>> -> memref<128xi32, #tpu.memory_space<vmem>>
      %dma_start3A_114 = arith.constant 0 : i32
      %dma_start3A_115 = arith.constant 0 : i32
      %dma_start3A_116 = tpu.memref_slice %arg13[%dma_start3A_114, %dma_start3A_115] : memref<10240x128xf32, #tpu.memory_space<vmem_shared>> -> memref<10240x128xf32, #tpu.memory_space<vmem_shared>>
      tpu.enqueue_indirect_dma source(%arg11 : memref<128x128xf32, #tpu.memory_space<vmem>>) target(%dma_start3A_116 : memref<10240x128xf32, #tpu.memory_space<vmem_shared>>) offsets(%dma_start3A_113 : memref<128xi32, #tpu.memory_space<vmem>>) semaphore(%arg17 : memref<!tpu.dma_semaphore, #tpu.memory_space<semaphore_mem>>) {add = true}
    }
    %scan3A_49 = arith.constant 21 : i32
    %dma_wait3A_50 = arith.constant 41 : i32
    %dma_wait3A_51 = arith.constant 0 : i32
    %dma_wait3A_52 = tpu.memref_slice %arg9[%dma_wait3A_50, %dma_wait3A_51] : memref<42x128xi32, #tpu.memory_space<vmem>> -> memref<1x128xi32, #tpu.memory_space<vmem>>
    %dma_wait3A_53 = tpu.memref_squeeze %dma_wait3A_52 : memref<1x128xi32, #tpu.memory_space<vmem>> -> memref<128xi32, #tpu.memory_space<vmem>>
    %dma_wait3A_54 = arith.constant 0 : i32
    %dma_wait3A_55 = arith.constant 0 : i32
    %dma_wait3A_56 = tpu.memref_slice %arg13[%dma_wait3A_54, %dma_wait3A_55] : memref<10240x128xf32, #tpu.memory_space<vmem_shared>> -> memref<10240x128xf32, #tpu.memory_space<vmem_shared>>
    tpu.wait_indirect_dma semaphore(%arg17 : memref<!tpu.dma_semaphore, #tpu.memory_space<semaphore_mem>>) src(%arg11 : memref<128x128xf32, #tpu.memory_space<vmem>>) dst(%dma_wait3A_56 : memref<10240x128xf32, #tpu.memory_space<vmem_shared>>)
    %barrier3A_57 = arith.constant 0 : index
    tpu.barrier barrier_id(%barrier3A_57)
    %mul3A_58 = arith.constant 640 : i32
    %mul3A_59 = arith.muli %arg1, %mul3A_58 : i32
    %mul3A_60 = arith.constant 640 : i32
    %mul3A_61 = arith.muli %arg1, %mul3A_60 : i32
    "tpu.region"() ({
      %run_scoped3A = tpu.sem_alloc : memref<!tpu.dma_semaphore, #tpu.memory_space<semaphore_mem>>
      %dma_start3A_62 = arith.constant 0 : i32
      %dma_start3A_63 = tpu.memref_slice %arg7[%arg0, %mul3A_61, %dma_start3A_62] : memref<2x10240x128xf32, #tpu.memory_space<hbm>> -> memref<1x640x128xf32, #tpu.memory_space<hbm>>
      %dma_start3A_64 = tpu.memref_squeeze %dma_start3A_63 : memref<1x640x128xf32, #tpu.memory_space<hbm>> -> memref<640x128xf32, #tpu.memory_space<hbm>>
      %dma_start3A_65 = arith.constant 0 : i32
      %dma_start3A_66 = tpu.memref_slice %arg13[%mul3A_59, %dma_start3A_65] : memref<10240x128xf32, #tpu.memory_space<vmem_shared>> -> memref<640x128xf32, #tpu.memory_space<vmem_shared>>
      tpu.enqueue_dma source(%dma_start3A_66 : memref<640x128xf32, #tpu.memory_space<vmem_shared>>) target(%dma_start3A_64 : memref<640x128xf32, #tpu.memory_space<hbm>>) target_semaphore(%run_scoped3A : memref<!tpu.dma_semaphore, #tpu.memory_space<semaphore_mem>>)
      %dma_wait3A_67 = arith.constant 0 : i32
      %dma_wait3A_68 = tpu.memref_slice %arg7[%arg0, %mul3A_61, %dma_wait3A_67] : memref<2x10240x128xf32, #tpu.memory_space<hbm>> -> memref<1x640x128xf32, #tpu.memory_space<hbm>>
      %dma_wait3A_69 = tpu.memref_squeeze %dma_wait3A_68 : memref<1x640x128xf32, #tpu.memory_space<hbm>> -> memref<640x128xf32, #tpu.memory_space<hbm>>
      %dma_wait3A_70 = arith.constant 0 : i32
      %dma_wait3A_71 = tpu.memref_slice %arg13[%mul3A_59, %dma_wait3A_70] : memref<10240x128xf32, #tpu.memory_space<vmem_shared>> -> memref<640x128xf32, #tpu.memory_space<vmem_shared>>
      tpu.wait_dma2 semaphore(%run_scoped3A : memref<!tpu.dma_semaphore, #tpu.memory_space<semaphore_mem>>) src(%dma_wait3A_71 : memref<640x128xf32, #tpu.memory_space<vmem_shared>>) dst(%dma_wait3A_69 : memref<640x128xf32, #tpu.memory_space<hbm>>)
      tpu.yield
    }) : () -> ()
    return
  }
}

#map = affine_map<(d0, d1) -> (0, 0)>
module attributes {stable_mosaic.version = 14 : i64} {
  func.func @_deg_body(%arg0: i32, %arg1: i32, %arg2: memref<32x5376xi32, #tpu.memory_space<hbm>>, %arg3: memref<32x10240xf32, #tpu.memory_space<hbm>>, %arg4: memref<5376xi32, #tpu.memory_space<vmem>>, %arg5: memref<10240xf32, #tpu.memory_space<vmem>>) attributes {dimension_semantics = [#tpu.dimension_semantics<core_parallel>, #tpu.dimension_semantics<subcore_parallel>], iteration_bounds = array<i64: 2, 16>, scalar_prefetch = 0 : i64, scratch_operands = 2 : i64, tpu.core_type = #tpu.core_type<sc_vector_subcore>, window_params = [{transform_indices = #map}, {transform_indices = #map}]} {
    %mul3A = arith.constant 16 : i32
    %mul3A_0 = arith.muli %arg0, %mul3A : i32
    %add3A = arith.addi %mul3A_0, %arg1 : i32
    "tpu.region"() ({
      %run_scoped3A = tpu.sem_alloc : memref<!tpu.dma_semaphore, #tpu.memory_space<semaphore_mem>>
      %dma_start3A = arith.constant 0 : i32
      %dma_start3A_11 = tpu.memref_slice %arg2[%add3A, %dma_start3A] : memref<32x5376xi32, #tpu.memory_space<hbm>> -> memref<1x5376xi32, #tpu.memory_space<hbm>>
      %dma_start3A_12 = tpu.memref_squeeze %dma_start3A_11 : memref<1x5376xi32, #tpu.memory_space<hbm>> -> memref<5376xi32, #tpu.memory_space<hbm>>
      %dma_start3A_13 = arith.constant 0 : i32
      %dma_start3A_14 = tpu.memref_slice %arg2[%add3A, %dma_start3A_13] : memref<32x5376xi32, #tpu.memory_space<hbm>> -> memref<1x5376xi32, #tpu.memory_space<hbm>>
      %dma_start3A_15 = tpu.memref_squeeze %dma_start3A_14 : memref<1x5376xi32, #tpu.memory_space<hbm>> -> memref<5376xi32, #tpu.memory_space<hbm>>
      tpu.enqueue_dma source(%dma_start3A_15 : memref<5376xi32, #tpu.memory_space<hbm>>) target(%arg4 : memref<5376xi32, #tpu.memory_space<vmem>>) target_semaphore(%run_scoped3A : memref<!tpu.dma_semaphore, #tpu.memory_space<semaphore_mem>>)
      %dma_wait3A = arith.constant 0 : i32
      %dma_wait3A_16 = tpu.memref_slice %arg2[%add3A, %dma_wait3A] : memref<32x5376xi32, #tpu.memory_space<hbm>> -> memref<1x5376xi32, #tpu.memory_space<hbm>>
      %dma_wait3A_17 = tpu.memref_squeeze %dma_wait3A_16 : memref<1x5376xi32, #tpu.memory_space<hbm>> -> memref<5376xi32, #tpu.memory_space<hbm>>
      %dma_wait3A_18 = arith.constant 0 : i32
      %dma_wait3A_19 = tpu.memref_slice %arg2[%add3A, %dma_wait3A_18] : memref<32x5376xi32, #tpu.memory_space<hbm>> -> memref<1x5376xi32, #tpu.memory_space<hbm>>
      %dma_wait3A_20 = tpu.memref_squeeze %dma_wait3A_19 : memref<1x5376xi32, #tpu.memory_space<hbm>> -> memref<5376xi32, #tpu.memory_space<hbm>>
      tpu.wait_dma2 semaphore(%run_scoped3A : memref<!tpu.dma_semaphore, #tpu.memory_space<semaphore_mem>>) src(%dma_wait3A_20 : memref<5376xi32, #tpu.memory_space<hbm>>) dst(%arg4 : memref<5376xi32, #tpu.memory_space<vmem>>)
      tpu.yield
    }) : () -> ()
    %scan3A = arith.constant 0 : i32
    %scan3A_1 = arith.constant 640 : i32
    %scan3A_2 = arith.addi %scan3A, %scan3A_1 : i32
    %scan3A_3 = arith.constant 1 : i32
    scf.for %scan3A_11 = %scan3A to %scan3A_2 step %scan3A_3  : i32 {
      %mul3A_12 = arith.constant 16 : i32
      %mul3A_13 = arith.muli %scan3A_11, %mul3A_12 : i32
      %add3A_14 = arith.constant 0 : i32
      %add3A_15 = arith.addi %add3A_14, %mul3A_13 : i32
      %broadcast_in_dim3A_16 = arith.constant 0.000000e+00 : f32
      %broadcast_in_dim3A_17 = vector.broadcast %broadcast_in_dim3A_16 : f32 to vector<16xf32>
      %swap3A = arith.index_cast %add3A_15 : i32 to index
      %swap3A_18 = tpu.vector_load %arg5[%swap3A] {strides = array<i32>} : memref<10240xf32, #tpu.memory_space<vmem>>, vector<16xf32>,
      tpu.vector_store %arg5[%swap3A], %broadcast_in_dim3A_17 {strides = array<i32>} : memref<10240xf32, #tpu.memory_space<vmem>>, vector<16xf32>,
    }
    %scan3A_4 = arith.constant 640 : i32
    %broadcast_in_dim3A = arith.constant 1.000000e+00 : f32
    %broadcast_in_dim3A_5 = vector.broadcast %broadcast_in_dim3A : f32 to vector<16xf32>
    %scan3A_6 = arith.constant 0 : i32
    %scan3A_7 = arith.constant 336 : i32
    %scan3A_8 = arith.addi %scan3A_6, %scan3A_7 : i32
    %scan3A_9 = arith.constant 1 : i32
    scf.for %scan3A_11 = %scan3A_6 to %scan3A_8 step %scan3A_9  : i32 {
      %mul3A_12 = arith.constant 16 : i32
      %mul3A_13 = arith.muli %scan3A_11, %mul3A_12 : i32
      %add3A_14 = arith.constant 0 : i32
      %add3A_15 = arith.addi %add3A_14, %mul3A_13 : i32
      %get3A = arith.index_cast %add3A_15 : i32 to index
      %get3A_16 = tpu.vector_load %arg4[%get3A] {strides = array<i32>} : memref<5376xi32, #tpu.memory_space<vmem>>, vector<16xi32>,
      tpu.vector_store_idx %arg5[%get3A_16], %broadcast_in_dim3A_5 {add = true} : memref<10240xf32, #tpu.memory_space<vmem>>[vector<16xi32>], vector<16xf32>,
    }
    %scan3A_10 = arith.constant 336 : i32
    "tpu.region"() ({
      %run_scoped3A = tpu.sem_alloc : memref<!tpu.dma_semaphore, #tpu.memory_space<semaphore_mem>>
      %dma_start3A = arith.constant 0 : i32
      %dma_start3A_11 = tpu.memref_slice %arg3[%add3A, %dma_start3A] : memref<32x10240xf32, #tpu.memory_space<hbm>> -> memref<1x10240xf32, #tpu.memory_space<hbm>>
      %dma_start3A_12 = tpu.memref_squeeze %dma_start3A_11 : memref<1x10240xf32, #tpu.memory_space<hbm>> -> memref<10240xf32, #tpu.memory_space<hbm>>
      %dma_start3A_13 = arith.constant 0 : i32
      %dma_start3A_14 = tpu.memref_slice %arg3[%add3A, %dma_start3A_13] : memref<32x10240xf32, #tpu.memory_space<hbm>> -> memref<1x10240xf32, #tpu.memory_space<hbm>>
      %dma_start3A_15 = tpu.memref_squeeze %dma_start3A_14 : memref<1x10240xf32, #tpu.memory_space<hbm>> -> memref<10240xf32, #tpu.memory_space<hbm>>
      tpu.enqueue_dma source(%arg5 : memref<10240xf32, #tpu.memory_space<vmem>>) target(%dma_start3A_15 : memref<10240xf32, #tpu.memory_space<hbm>>) target_semaphore(%run_scoped3A : memref<!tpu.dma_semaphore, #tpu.memory_space<semaphore_mem>>)
      %dma_wait3A = arith.constant 0 : i32
      %dma_wait3A_16 = tpu.memref_slice %arg3[%add3A, %dma_wait3A] : memref<32x10240xf32, #tpu.memory_space<hbm>> -> memref<1x10240xf32, #tpu.memory_space<hbm>>
      %dma_wait3A_17 = tpu.memref_squeeze %dma_wait3A_16 : memref<1x10240xf32, #tpu.memory_space<hbm>> -> memref<10240xf32, #tpu.memory_space<hbm>>
      %dma_wait3A_18 = arith.constant 0 : i32
      %dma_wait3A_19 = tpu.memref_slice %arg3[%add3A, %dma_wait3A_18] : memref<32x10240xf32, #tpu.memory_space<hbm>> -> memref<1x10240xf32, #tpu.memory_space<hbm>>
      %dma_wait3A_20 = tpu.memref_squeeze %dma_wait3A_19 : memref<1x10240xf32, #tpu.memory_space<hbm>> -> memref<10240xf32, #tpu.memory_space<hbm>>
      tpu.wait_dma2 semaphore(%run_scoped3A : memref<!tpu.dma_semaphore, #tpu.memory_space<semaphore_mem>>) src(%arg5 : memref<10240xf32, #tpu.memory_space<vmem>>) dst(%dma_wait3A_20 : memref<10240xf32, #tpu.memory_space<hbm>>)
      tpu.yield
    }) : () -> ()
    return
  }
}

module attributes {stable_mosaic.version = 14 : i64} {
  func.func @_dense_body(%arg0: i32, %arg1: memref<512x256xf32, #tpu.memory_space<vmem>>, %arg2: memref<256x256xf32, #tpu.memory_space<vmem>>, %arg3: memref<1x256xf32, #tpu.memory_space<vmem>>, %arg4: memref<256x256xf32, #tpu.memory_space<vmem>>, %arg5: memref<32x512xf32, #tpu.memory_space<vmem>>, %arg6: memref<512x128xf32, #tpu.memory_space<vmem>>, %arg7: memref<512x128xf32, #tpu.memory_space<vmem>>, %arg8: memref<1x512xf32, #tpu.memory_space<vmem>>) attributes {dimension_semantics = [#tpu.dimension_semantics<arbitrary>], iteration_bounds = array<i64: 20>, scalar_prefetch = 0 : i64, scratch_operands = 0 : i64, tpu.core_type = #tpu.core_type<tc>, window_params = [{transform_indices = @transform_0, window_bounds = array<i64: 512, 256>}, {pipeline_mode = #tpu.pipeline_mode<synchronous>, transform_indices = @transform_1, window_bounds = array<i64: 256, 256>}, {pipeline_mode = #tpu.pipeline_mode<synchronous>, transform_indices = @transform_2, window_bounds = array<i64: 1, 256>}, {pipeline_mode = #tpu.pipeline_mode<synchronous>, transform_indices = @transform_3, window_bounds = array<i64: 256, 256>}, {transform_indices = @transform_4, window_bounds = array<i64: 32, 512>}, {transform_indices = @transform_5, window_bounds = array<i64: 512, 128>}, {transform_indices = @transform_6, window_bounds = array<i64: 512, 128>}, {transform_indices = @transform_7, window_bounds = array<i64: 1, 512>}]} {
    %get3A = arith.constant 0 : index
    %get3A_0 = arith.constant 0 : index
    %get3A_1 = vector.load %arg1[%get3A, %get3A_0] : memref<512x256xf32, #tpu.memory_space<vmem>>, vector<512x256xf32>
    %get3A_2 = arith.constant 0 : index
    %get3A_3 = arith.constant 0 : index
    %get3A_4 = vector.load %arg2[%get3A_2, %get3A_3] : memref<256x256xf32, #tpu.memory_space<vmem>>, vector<256x256xf32>
    %dot_general3A = arith.constant dense<0.000000e+00> : vector<512x256xf32>
    %dot_general3A_5 = tpu.matmul %get3A_1, %get3A_4, %dot_general3A {dimension_numbers = #tpu.dot_dimension_numbers<[1], [0], [0], [1], [0, 0, 1, 1], [], []>, transpose_lhs_hint = false} : vector<512x256xf32>, vector<256x256xf32>, vector<512x256xf32> -> vector<512x256xf32>
    %get3A_6 = arith.constant 0 : index
    %get3A_7 = arith.constant 0 : index
    %get3A_8 = vector.load %arg3[%get3A_6, %get3A_7] : memref<1x256xf32, #tpu.memory_space<vmem>>, vector<1x256xf32>
    %add3A = vector.broadcast %get3A_8 : vector<1x256xf32> to vector<512x256xf32>
    %add3A_9 = arith.addf %dot_general3A_5, %add3A : vector<512x256xf32>
    %max3A = arith.constant 0.000000e+00 : f32
    %max3A_10 = vector.broadcast %max3A : f32 to vector<512x256xf32>
    %max3A_11 = arith.maximumf %add3A_9, %max3A_10 : vector<512x256xf32>
    %get3A_12 = arith.constant 0 : index
    %get3A_13 = arith.constant 0 : index
    %get3A_14 = vector.load %arg4[%get3A_12, %get3A_13] : memref<256x256xf32, #tpu.memory_space<vmem>>, vector<256x256xf32>
    %dot_general3A_15 = arith.constant dense<0.000000e+00> : vector<512x256xf32>
    %dot_general3A_16 = tpu.matmul %max3A_11, %get3A_14, %dot_general3A_15 {dimension_numbers = #tpu.dot_dimension_numbers<[1], [0], [0], [1], [0, 0, 1, 1], [], []>, transpose_lhs_hint = false} : vector<512x256xf32>, vector<256x256xf32>, vector<512x256xf32> -> vector<512x256xf32>
    %get3A_17 = arith.constant 0 : index
    %get3A_18 = arith.constant 0 : index
    %get3A_19 = vector.load %arg5[%get3A_17, %get3A_18] : memref<32x512xf32, #tpu.memory_space<vmem>>, vector<32x512xf32>
    %reduce_sum3A = arith.constant dense<0.000000e+00> : vector<512xf32>
    %reduce_sum3A_20 = vector.multi_reduction <add>, %get3A_19, %reduce_sum3A [0] : vector<32x512xf32> to vector<512xf32>
    %gt3A = arith.constant 0.000000e+00 : f32
    %gt3A_21 = vector.broadcast %gt3A : f32 to vector<512xf32>
    %gt3A_22 = arith.cmpf ogt, %reduce_sum3A_20, %gt3A_21 : vector<512xf32>
    %rsqrt3A = math.rsqrt %reduce_sum3A_20 : vector<512xf32>
    %jit3A = arith.constant 0.000000e+00 : f32
    %broadcast_in_dim3A = vector.broadcast %jit3A : f32 to vector<512xf32>
    %select_n3A = arith.select %gt3A_22, %rsqrt3A, %broadcast_in_dim3A : vector<512xi1>, vector<512xf32>
    %broadcast_in_dim3A_23 = vector.shape_cast %select_n3A : vector<512xf32> to vector<1x512xf32>
    %swap3A = arith.constant 0 : index
    %swap3A_24 = arith.constant 0 : index
    %swap3A_25 = vector.load %arg8[%swap3A, %swap3A_24] : memref<1x512xf32, #tpu.memory_space<vmem>>, vector<1x512xf32>
    tpu.vector_store %arg8[%swap3A, %swap3A_24], %broadcast_in_dim3A_23 {strides = array<i32>} : memref<1x512xf32, #tpu.memory_space<vmem>>, vector<1x512xf32>,
    %slice3A = vector.extract_strided_slice %dot_general3A_16 {offsets = [0, 0], sizes = [512, 128], strides = [1, 1]} : vector<512x256xf32> to vector<512x128xf32>
    %broadcast_in_dim3A_26 = vector.shape_cast %select_n3A : vector<512xf32> to vector<512x1xf32>
    %mul3A = vector.broadcast %broadcast_in_dim3A_26 : vector<512x1xf32> to vector<512x128xf32>
    %mul3A_27 = arith.mulf %slice3A, %mul3A : vector<512x128xf32>
    %swap3A_28 = arith.constant 0 : index
    %swap3A_29 = arith.constant 0 : index
    %swap3A_30 = vector.load %arg6[%swap3A_28, %swap3A_29] : memref<512x128xf32, #tpu.memory_space<vmem>>, vector<512x128xf32>
    tpu.vector_store %arg6[%swap3A_28, %swap3A_29], %mul3A_27 {strides = array<i32>} : memref<512x128xf32, #tpu.memory_space<vmem>>, vector<512x128xf32>,
    %slice3A_31 = vector.extract_strided_slice %dot_general3A_16 {offsets = [0, 128], sizes = [512, 128], strides = [1, 1]} : vector<512x256xf32> to vector<512x128xf32>
    %broadcast_in_dim3A_32 = vector.shape_cast %select_n3A : vector<512xf32> to vector<512x1xf32>
    %mul3A_33 = vector.broadcast %broadcast_in_dim3A_32 : vector<512x1xf32> to vector<512x128xf32>
    %mul3A_34 = arith.mulf %slice3A_31, %mul3A_33 : vector<512x128xf32>
    %swap3A_35 = arith.constant 0 : index
    %swap3A_36 = arith.constant 0 : index
    %swap3A_37 = vector.load %arg7[%swap3A_35, %swap3A_36] : memref<512x128xf32, #tpu.memory_space<vmem>>, vector<512x128xf32>
    tpu.vector_store %arg7[%swap3A_35, %swap3A_36], %mul3A_34 {strides = array<i32>} : memref<512x128xf32, #tpu.memory_space<vmem>>, vector<512x128xf32>,
    return
  }
  func.func @transform_0(%arg0: i32) -> (i32, i32) {
    %c0_i32 = arith.constant 0 : i32
    %c0_i32_0 = arith.constant 0 : i32
    return %arg0, %c0_i32 : i32, i32
  }
  func.func @transform_1(%arg0: i32) -> (i32, i32) {
    %c0_i32 = arith.constant 0 : i32
    %c0_i32_0 = arith.constant 0 : i32
    %c0_i32_1 = arith.constant 0 : i32
    return %c0_i32, %c0_i32_0 : i32, i32
  }
  func.func @transform_2(%arg0: i32) -> (i32, i32) {
    %c0_i32 = arith.constant 0 : i32
    %c0_i32_0 = arith.constant 0 : i32
    %c0_i32_1 = arith.constant 0 : i32
    return %c0_i32, %c0_i32_0 : i32, i32
  }
  func.func @transform_3(%arg0: i32) -> (i32, i32) {
    %c0_i32 = arith.constant 0 : i32
    %c0_i32_0 = arith.constant 0 : i32
    %c0_i32_1 = arith.constant 0 : i32
    return %c0_i32, %c0_i32_0 : i32, i32
  }
  func.func @transform_4(%arg0: i32) -> (i32, i32) {
    %c0_i32 = arith.constant 0 : i32
    %c0_i32_0 = arith.constant 0 : i32
    return %c0_i32, %arg0 : i32, i32
  }
  func.func @transform_5(%arg0: i32) -> (i32, i32) {
    %c0_i32 = arith.constant 0 : i32
    %c0_i32_0 = arith.constant 0 : i32
    return %arg0, %c0_i32 : i32, i32
  }
  func.func @transform_6(%arg0: i32) -> (i32, i32) {
    %c0_i32 = arith.constant 0 : i32
    %c0_i32_0 = arith.constant 0 : i32
    return %arg0, %c0_i32 : i32, i32
  }
  func.func @transform_7(%arg0: i32) -> (i32, i32) {
    %c0_i32 = arith.constant 0 : i32
    %c0_i32_0 = arith.constant 0 : i32
    return %c0_i32, %arg0 : i32, i32
  }
}

module attributes {stable_mosaic.version = 14 : i64} {
  func.func @_final_body(%arg0: i32, %arg1: memref<2x512x128xf32, #tpu.memory_space<vmem>>, %arg2: memref<2x512x128xf32, #tpu.memory_space<vmem>>, %arg3: memref<1x512xf32, #tpu.memory_space<vmem>>, %arg4: memref<1x256xf32, #tpu.memory_space<vmem>>, %arg5: memref<256x40xf32, #tpu.memory_space<vmem>>, %arg6: memref<1x40xf32, #tpu.memory_space<vmem>>, %arg7: memref<512x40xf32, #tpu.memory_space<vmem>>) attributes {dimension_semantics = [#tpu.dimension_semantics<arbitrary>], iteration_bounds = array<i64: 20>, scalar_prefetch = 0 : i64, scratch_operands = 0 : i64, tpu.core_type = #tpu.core_type<tc>, window_params = [{transform_indices = @transform_0, window_bounds = array<i64: 2, 512, 128>}, {transform_indices = @transform_1, window_bounds = array<i64: 2, 512, 128>}, {transform_indices = @transform_2, window_bounds = array<i64: 1, 512>}, {pipeline_mode = #tpu.pipeline_mode<synchronous>, transform_indices = @transform_3, window_bounds = array<i64: 1, 256>}, {pipeline_mode = #tpu.pipeline_mode<synchronous>, transform_indices = @transform_4, window_bounds = array<i64: 256, 40>}, {pipeline_mode = #tpu.pipeline_mode<synchronous>, transform_indices = @transform_5, window_bounds = array<i64: 1, 40>}, {transform_indices = @transform_6, window_bounds = array<i64: 512, 40>}]} {
    %get3A = arith.constant 0 : index
    %get3A_0 = arith.constant 0 : index
    %get3A_1 = vector.load %arg3[%get3A, %get3A_0] : memref<1x512xf32, #tpu.memory_space<vmem>>, vector<1x512xf32>
    %get3A_2 = vector.shape_cast %get3A_1 : vector<1x512xf32> to vector<512xf32>
    %broadcast_in_dim3A = vector.shape_cast %get3A_2 : vector<512xf32> to vector<512x1xf32>
    %get3A_3 = arith.constant 0 : index
    %get3A_4 = arith.constant 0 : index
    %get3A_5 = arith.constant 0 : index
    %get3A_6 = vector.load %arg1[%get3A_3, %get3A_4, %get3A_5] : memref<2x512x128xf32, #tpu.memory_space<vmem>>, vector<1x512x128xf32>
    %get3A_7 = vector.shape_cast %get3A_6 : vector<1x512x128xf32> to vector<512x128xf32>
    %get3A_8 = arith.constant 1 : index
    %get3A_9 = arith.constant 0 : index
    %get3A_10 = arith.constant 0 : index
    %get3A_11 = vector.load %arg1[%get3A_8, %get3A_9, %get3A_10] : memref<2x512x128xf32, #tpu.memory_space<vmem>>, vector<1x512x128xf32>
    %get3A_12 = vector.shape_cast %get3A_11 : vector<1x512x128xf32> to vector<512x128xf32>
    %add3A = arith.addf %get3A_7, %get3A_12 : vector<512x128xf32>
    %mul3A = vector.broadcast %broadcast_in_dim3A : vector<512x1xf32> to vector<512x128xf32>
    %mul3A_13 = arith.mulf %add3A, %mul3A : vector<512x128xf32>
    %get3A_14 = arith.constant 0 : index
    %get3A_15 = arith.constant 0 : index
    %get3A_16 = vector.load %arg4[%get3A_14, %get3A_15] : memref<1x256xf32, #tpu.memory_space<vmem>>, vector<1x128xf32>
    %add3A_17 = vector.broadcast %get3A_16 : vector<1x128xf32> to vector<512x128xf32>
    %add3A_18 = arith.addf %mul3A_13, %add3A_17 : vector<512x128xf32>
    %max3A = arith.constant 0.000000e+00 : f32
    %max3A_19 = vector.broadcast %max3A : f32 to vector<512x128xf32>
    %max3A_20 = arith.maximumf %add3A_18, %max3A_19 : vector<512x128xf32>
    %get3A_21 = arith.constant 0 : index
    %get3A_22 = arith.constant 0 : index
    %get3A_23 = arith.constant 0 : index
    %get3A_24 = vector.load %arg2[%get3A_21, %get3A_22, %get3A_23] : memref<2x512x128xf32, #tpu.memory_space<vmem>>, vector<1x512x128xf32>
    %get3A_25 = vector.shape_cast %get3A_24 : vector<1x512x128xf32> to vector<512x128xf32>
    %get3A_26 = arith.constant 1 : index
    %get3A_27 = arith.constant 0 : index
    %get3A_28 = arith.constant 0 : index
    %get3A_29 = vector.load %arg2[%get3A_26, %get3A_27, %get3A_28] : memref<2x512x128xf32, #tpu.memory_space<vmem>>, vector<1x512x128xf32>
    %get3A_30 = vector.shape_cast %get3A_29 : vector<1x512x128xf32> to vector<512x128xf32>
    %add3A_31 = arith.addf %get3A_25, %get3A_30 : vector<512x128xf32>
    %mul3A_32 = vector.broadcast %broadcast_in_dim3A : vector<512x1xf32> to vector<512x128xf32>
    %mul3A_33 = arith.mulf %add3A_31, %mul3A_32 : vector<512x128xf32>
    %get3A_34 = arith.constant 0 : index
    %get3A_35 = arith.constant 128 : index
    %get3A_36 = vector.load %arg4[%get3A_34, %get3A_35] : memref<1x256xf32, #tpu.memory_space<vmem>>, vector<1x128xf32>
    %add3A_37 = vector.broadcast %get3A_36 : vector<1x128xf32> to vector<512x128xf32>
    %add3A_38 = arith.addf %mul3A_33, %add3A_37 : vector<512x128xf32>
    %max3A_39 = arith.constant 0.000000e+00 : f32
    %max3A_40 = vector.broadcast %max3A_39 : f32 to vector<512x128xf32>
    %max3A_41 = arith.maximumf %add3A_38, %max3A_40 : vector<512x128xf32>
    %concatenate3A = tpu.concatenate %max3A_20, %max3A_41 in 1 : vector<512x128xf32>, vector<512x128xf32> -> vector<512x256xf32>
    %get3A_42 = arith.constant 0 : index
    %get3A_43 = arith.constant 0 : index
    %get3A_44 = vector.load %arg5[%get3A_42, %get3A_43] : memref<256x40xf32, #tpu.memory_space<vmem>>, vector<256x40xf32>
    %dot_general3A = arith.constant dense<0.000000e+00> : vector<512x40xf32>
    %dot_general3A_45 = tpu.matmul %concatenate3A, %get3A_44, %dot_general3A {dimension_numbers = #tpu.dot_dimension_numbers<[1], [0], [0], [1], [0, 0, 1, 1], [], []>, transpose_lhs_hint = false} : vector<512x256xf32>, vector<256x40xf32>, vector<512x40xf32> -> vector<512x40xf32>
    %get3A_46 = arith.constant 0 : index
    %get3A_47 = arith.constant 0 : index
    %get3A_48 = vector.load %arg6[%get3A_46, %get3A_47] : memref<1x40xf32, #tpu.memory_space<vmem>>, vector<1x40xf32>
    %add3A_49 = vector.broadcast %get3A_48 : vector<1x40xf32> to vector<512x40xf32>
    %add3A_50 = arith.addf %dot_general3A_45, %add3A_49 : vector<512x40xf32>
    %swap3A = arith.constant 0 : index
    %swap3A_51 = arith.constant 0 : index
    %swap3A_52 = vector.load %arg7[%swap3A, %swap3A_51] : memref<512x40xf32, #tpu.memory_space<vmem>>, vector<512x40xf32>
    tpu.vector_store %arg7[%swap3A, %swap3A_51], %add3A_50 {strides = array<i32>} : memref<512x40xf32, #tpu.memory_space<vmem>>, vector<512x40xf32>,
    return
  }
  func.func @transform_0(%arg0: i32) -> (i32, i32, i32) {
    %c0_i32 = arith.constant 0 : i32
    %c0_i32_0 = arith.constant 0 : i32
    %c0_i32_1 = arith.constant 0 : i32
    return %c0_i32, %arg0, %c0_i32_0 : i32, i32, i32
  }
  func.func @transform_1(%arg0: i32) -> (i32, i32, i32) {
    %c0_i32 = arith.constant 0 : i32
    %c0_i32_0 = arith.constant 0 : i32
    %c0_i32_1 = arith.constant 0 : i32
    return %c0_i32, %arg0, %c0_i32_0 : i32, i32, i32
  }
  func.func @transform_2(%arg0: i32) -> (i32, i32) {
    %c0_i32 = arith.constant 0 : i32
    %c0_i32_0 = arith.constant 0 : i32
    return %c0_i32, %arg0 : i32, i32
  }
  func.func @transform_3(%arg0: i32) -> (i32, i32) {
    %c0_i32 = arith.constant 0 : i32
    %c0_i32_0 = arith.constant 0 : i32
    %c0_i32_1 = arith.constant 0 : i32
    return %c0_i32, %c0_i32_0 : i32, i32
  }
  func.func @transform_4(%arg0: i32) -> (i32, i32) {
    %c0_i32 = arith.constant 0 : i32
    %c0_i32_0 = arith.constant 0 : i32
    %c0_i32_1 = arith.constant 0 : i32
    return %c0_i32, %c0_i32_0 : i32, i32
  }
  func.func @transform_5(%arg0: i32) -> (i32, i32) {
    %c0_i32 = arith.constant 0 : i32
    %c0_i32_0 = arith.constant 0 : i32
    %c0_i32_1 = arith.constant 0 : i32
    return %c0_i32, %c0_i32_0 : i32, i32
  }
  func.func @transform_6(%arg0: i32) -> (i32, i32) {
    %c0_i32 = arith.constant 0 : i32
    %c0_i32_0 = arith.constant 0 : i32
    return %arg0, %c0_i32 : i32, i32
  }
}

</mosaic_0001>

<sc_bundles>
// kernel: kernel.6.cloned.1.call-start
scs
__scs_entry_jumppad:
0x0: {  	(pc) =	sbr.rel $0x88, $3  }
0x1: {  	(tag) =	ssettag $0x0;
	lr =	simm.s32 $0x1  }
0x2: {  	[smem:$0x3F99] =	sst lr;
	_ =	strace $0xD0000000  }
0x3: {  	_ = 	snop  }
0x4: {  	_ = 	snop  }
0x5: {  	_ = 	snop  }
0x6: {  	_ = 	snop  }
0x7: {  	_ = 	snop  }
__scs_overlays_trampoline_lowered:
0x8: {  	[smem:$0x3FA8] =	sst s0  }
0x9: {  	[smem:$0x3FA9] =	sst s1  }
0xa: {  	[smem:$0x3FAA] =	sst s2  }
0xb: {  	[smem:$0x3FAB] =	sst s3  }
0xc: {  	[smem:$0x3FAC] =	sst s4  }
0xd: {  	[smem:$0x3FAD] =	sst s5  }
0xe: {  	[smem:$0x3FAE] =	sst s6  }
0xf: {  	[smem:$0x3FAF] =	sst s7  }
0x10: {  	[smem:$0x3FB0] =	sst s8  }
0x11: {  	[smem:$0x3FB1] =	sst s9;
	s0 =	simm.s32 @!p0 $0x0  }
0x12: {  	s1 =	sld [smem:$0x3F97];
	s0 =	simm.s32 @p0 $0x1  }
0x13: {  	[smem:$0x3FB2] =	sst s0;
	s0 =	simm.s32 @!p1 $0x0  }
0x14: {  	s2 =	sld [smem:$0x3F96];
	s0 =	simm.s32 @p1 $0x1  }
0x15: {  	[smem:$0x3FB3] =	sst s0;
	s0 =	simm.s32 @!p2 $0x0  }
0x16: {  	s3 =	sld [smem:$0x3FDB];
	s0 =	simm.s32 @p2 $0x1  }
0x17: {  	s4 =	simm.s32 $0x1BF5;
	[smem:$0x3FB5] =	sst s0  }
0x18: {  	s0 =	sld [smem:$0x3F98];
	_ =	swait.ge [sflag:s4], $0x0  }
0x19: {  	s7 =	sld [smem:$0x3F99]  }
0x1a: {  	s8 =	sadd.s32 $0xFFFFE003, lr  }
0x1b: {  	s9 =	sadd.s32 $0xFFFFFEF7, lr;
	s5 =	simm.s32 $0xFFFFFFFF;
	p2 =	slt.u32 s8, $0xFFFFF086  }
0x1c: {  	p1 =	slt.u32 s9, $0xF7A;
	s5 =	simm.s32 @!p2 $0x0  }
0x1d: {  	s5 =	simm.s32 @p1 $0x1;
	p0 =	seq.s32 s7, s2  }
0x1e: {  	s7 =	smul.u32 @!p0 $0xF7A, s2;
	p2 =	seq.s32 @!p0 s5, $0x0  }
0x1f: {  	s9 =	smul.u32 $0xF7A, s1;
	s8 =	simm.s32 @!p0 $0x1BF5;
	p2 =	por !p2, p0  }
0x20: {  	[sflag:s8] =	ssyncset.s32 @!p0 $0xFFFFF086;
	s6 =	sadd.s32 @!p0 s3, s7;
	s7 =	simm.s32 @!p0 $0x108  }
0x21: {  	s3 =	sadd.s32 s3, s9;
	s6 =	sadd.s32 @!p0 $0x88, s6;
	s7 =	simm.s32 @p2 $0x1082  }
0x22: {  	[simem:s7], [sflag:s8] =	dma.local @!p0 [hbm:s6], $0xF7A  }
0x23: {  	s9 =	sor.u32 $0xD0000000, s2;
	s6 =	simm.s32 $0x108;
	_ =	swait.ge @!p0 [sflag:s8], $0x0  }
0x24: {  	s3 =	sadd.s32 $0x88, s3;
	s6 =	simm.s32 @!p1 $0x1082;
	[sflag:s4] =	ssyncset.s32 $0xFFFFF086  }
0x25: {  	[simem:s6], [sflag:s4] =	dma.local [hbm:s3], $0xF7A  }
0x26: {  	[smem:$0x3F99] =	sst s1;
	(tag) =	ssettag s2;
	_ =	strace s9  }
0x27: {  	s1 =	sld [smem:$0x3FA9]  }
0x28: {  	s2 =	sld [smem:$0x3FAA]  }
0x29: {  	s4 =	sld [smem:$0x3FAC]  }
0x2a: {  	p0 =	seq.s32 s5, $0x0;
	s5 =	sld [smem:$0x3FAD]  }
0x2b: {  	s6 =	sld [smem:$0x3FAE]  }
0x2c: {  	s7 =	sld [smem:$0x3FAF]  }
0x2d: {  	s3 =	simm.s32 $0x108;
	s8 =	sld [smem:$0x3FB0]  }
0x2e: {  	s3 =	simm.s32 @!p0 $0x1082;
	s9 =	sld [smem:$0x3FB1]  }
0x2f: {  	lr =	sadd.s32 s0, s3;
	s0 =	sld [smem:$0x3FA8]  }
0x30: {  	s3 =	sld [smem:$0x3FAB]  }
0x31: {  	[smem:$0x3FB4] =	sst s10  }
0x32: {  	s10 =	sld [smem:$0x3FB2];
	_ =	sdelay $0x3  }
0x33: {  	p0 =	seq.s32 s10, $0x1;
	s10 =	sld [smem:$0x3FB4];
	_ =	sdelay $0x3  }
0x34: {  	[smem:$0x3FB4] =	sst s10  }
0x35: {  	s10 =	sld [smem:$0x3FB3];
	_ =	sdelay $0x3  }
0x36: {  	p1 =	seq.s32 s10, $0x1;
	s10 =	sld [smem:$0x3FB4];
	_ =	sdelay $0x3  }
0x37: {  	[smem:$0x3FB4] =	sst s10  }
0x38: {  	s10 =	sld [smem:$0x3FB5]  }
0x39: {  	_ = 	snop;
	(pc) =	sbr.ind lr, $3  }
0x3a: {  	_ = 	snop  }
0x3b: {  	_ = 	snop  }
0x3c: {  	p2 =	seq.s32 s10, $0x1;
	s10 =	sld [smem:$0x3FB4]  }
0x3d: {  	_ =	shalt  }
0x3e: {  	_ =	shalt  }
0x3f: {  	_ =	shalt  }
0x40: {  	_ =	shalt  }
0x41: {  	_ =	shalt  }
0x42: {  	_ =	shalt  }
0x43: {  	_ =	shalt  }
0x44: {  	_ =	shalt  }
0x45: {  	_ =	shalt  }
0x46: {  	_ =	shalt  }
0x47: {  	_ =	shalt  }
0x48: {  	_ =	shalt  }
0x49: {  	_ =	shalt  }
0x4a: {  	_ =	shalt  }
0x4b: {  	_ =	shalt  }
0x4c: {  	_ =	shalt  }
0x4d: {  	_ =	shalt  }
0x4e: {  	_ =	shalt  }
0x4f: {  	_ =	shalt  }
0x50: {  	_ =	shalt  }
0x51: {  	_ =	shalt  }
0x52: {  	_ =	shalt  }
0x53: {  	_ =	shalt  }
0x54: {  	_ =	shalt  }
0x55: {  	_ =	shalt  }
0x56: {  	_ =	shalt  }
0x57: {  	_ =	shalt  }
0x58: {  	_ =	shalt  }
0x59: {  	_ =	shalt  }
0x5a: {  	_ =	shalt  }
0x5b: {  	_ =	shalt  }
0x5c: {  	_ =	shalt  }
0x5d: {  	_ =	shalt  }
0x5e: {  	_ =	shalt  }
0x5f: {  	_ =	shalt  }
0x60: {  	_ =	shalt  }
0x61: {  	_ =	shalt  }
0x62: {  	_ =	shalt  }
0x63: {  	_ =	shalt  }
0x64: {  	_ =	shalt  }
0x65: {  	_ =	shalt  }
0x66: {  	_ =	shalt  }
0x67: {  	_ =	shalt  }
0x68: {  	_ =	shalt  }
0x69: {  	_ =	shalt  }
0x6a: {  	_ =	shalt  }
0x6b: {  	_ =	shalt  }
0x6c: {  	_ =	shalt  }
0x6d: {  	_ =	shalt  }
0x6e: {  	_ =	shalt  }
0x6f: {  	_ =	shalt  }
0x70: {  	_ =	shalt  }
0x71: {  	_ =	shalt  }
0x72: {  	_ =	shalt  }
0x73: {  	_ =	shalt  }
0x74: {  	_ =	shalt  }
0x75: {  	_ =	shalt  }
0x76: {  	_ =	shalt  }
0x77: {  	_ =	shalt  }
0x78: {  	_ =	shalt  }
0x79: {  	_ =	shalt  }
0x7a: {  	_ =	shalt  }
0x7b: {  	_ =	shalt  }
0x7c: {  	_ =	shalt  }
0x7d: {  	_ =	shalt  }
0x7e: {  	_ =	shalt  }
0x7f: {  	_ =	shalt  }
0x80: {  	_ =	shalt  }
0x81: {  	_ =	shalt  }
0x82: {  	_ =	shalt  }
0x83: {  	_ =	shalt  }
0x84: {  	_ =	shalt  }
0x85: {  	_ =	shalt  }
0x86: {  	_ =	shalt  }
0x87: {  	_ =	shalt  }
.Lfunc_end0:
.L_simem_size_0:
called_computation_lowered:
.L_overlay_start_0:
0x88: {  	s2 =	sld [smem:$0x3FD9]  }
0x89: {  	s3 =	sld [smem:$0x3FFE];
	_ =	sdelay $0x1  }
0x8a: {  	s1 =	srdreg.scid  }
0x8b: {  	s0 =	sand.u32 $0x1, s1  }
0x8c: {  	s17 =	sshll.u32 s0, $0xA;
	s2 =	sadd.s32 s3, s2  }
0x8d: {  	s2 =	sadd.s32 s2, s17  }
0x8e: {  	[smem:$0x3FC0] =	sst s2  }
0x8f: {  	_ = 	snop  }
0x90: {  	s2 =	sld [smem:$0x3FD0];
	(tm) =	ssettm $0x1  }
0x91: {  	s18 =	sld [smem:$0x3FFB];
	_ =	sdelay $0x3  }
0x92: {  	_ =	strace s18  }
0x93: {  	s3 =	sld [smem:$0x3FFC];
	_ =	sdelay $0x3  }
0x94: {  	_ =	strace s3  }
0x95: {  	s3 =	sld [smem:$0x3FFD];
	_ =	sdelay $0x3  }
0x96: {  	_ =	strace s3  }
0x97: {  	_ =	strace $0x8FFFFFFF  }
0x98: {  	s19 =	sld [smem:$0x3FDB];
	_ =	sdelay $0x1  }
0x99: {  	s4 =	simm.s32 $_scs_section_size  }
0x9a: {  	s5 =	simm.s32 $_size__tile_overlayer_lowered;
	s6 =	simm.s32 $_tile_overlayer_lowered  }
0x9b: {  	s22 =	simm.s32 $0x1BFF;
	s21 =	sshll.u32 s6, $0x1;
	s3 =	sadd.s32 s4, s19  }
0x9c: {  	s7 =	simm.s32 $0x0;
	s20 =	sshll.u32 s5, $0x1;
	s5 =	sadd.s32 s21, s3  }
0x9d: {  	[timem:s7], [sflag:s22] =	dma.local [hbm:s5], s20  }
0x9e: {  	_ =	swait.ge [sflag:s22], s20  }
0x9f: {  	s4 =	ssub.s32 $0x0, s20;
	[sflag:s22] =	ssyncset.done $0x0  }
0xa0: {  	[sflag:s22] =	ssyncadd.s32 s4;
	_ =	sdelay $0x1  }
0xa1: {  	s23 =	simm.s32 $0x1B8B  }
0xa2: {  	_ =	swait.ge [sflag:s23], $0x1  }
0xa3: {  	[sflag:s23] =	ssyncset.done $0x0  }
0xa4: {  	s25 =	simm.s32 $0x1B8E;
	s24 =	sld [smem:$0x3FFE];
	[sflag:s23] =	ssyncadd.s32 $0xFFFFFFFF  }
0xa5: {  	s26 =	simm.s32 $execute0_lowered;
	[smem:$0x3FD2] =	sst s25  }
0xa6: {  	s5 =	sshll.u32 s26, $0x1;
	_ =	strace $0x80000046;
	[dreg:$0x1] =	wrdreg $0xFFFFFFFF  }
0xa7: {  	s28 =	simm.s32 $_size_execute0_lowered;
	s3 =	sadd.s32 s3, s5;
	[dreg:$0x0] =	wrdreg $0x0  }
0xa8: {  	s5 =	sshll.u32 s28, $0x1;
	[dreg:$0x2] =	wrdreg s3  }
0xa9: {  	[dreg:$0x3] =	wrdreg s5  }
0xaa: {  	[dreg:$0x4] =	wrdreg $0xC0  }
0xab: {  	_ =	task [dreg:s7], $0x5FFFF  }
0xac: {  	[dreg:$0x1] =	wrdreg $0xFFFFFFFF  }
0xad: {  	[dreg:$0x0] =	wrdreg $0x60  }
0xae: {  	[dreg:$0x2] =	wrdreg s24  }
0xaf: {  	[dreg:$0x3] =	wrdreg s2  }
0xb0: {  	[dreg:$0x4] =	wrdreg $0x9  }
0xb1: {  	_ =	task.clear_ibuf [dreg:s7], $0x5FFFF;
	_ =	strace $0x90000046  }
0xb2: {  	s29 =	simm.s32 $0x9;
	_ =	strace $0x80000048  }
0xb3: {  	_ =	swait.ge [sflag:s29], $0x1  }
0xb4: {  	[sflag:s29] =	ssyncadd.s32 $0xFFFFFFFF  }
0xb5: {  	_ =	strace $0x90000048  }
0xb6: {  	_ =	sfence  }
0xb7: {  	s30 =	sld [smem:$0x0];
	_ =	sdelay $0x2  }
0xb8: {  	s31 =	sshll.u32 s1, $0xD;
	s1 =	sshrl.u32 s1, $0x2  }
0xb9: {  	s3 =	sand.u32 $0x4000, s31;
	s1 =	sadd.s32 s1, s30  }
0xba: {  	s0 =	sor.u32 s3, s0;
	s1 =	sshll.u32 s1, $0x11  }
0xbb: {  	s0 =	sor.u32 s1, s0  }
0xbc: {  	s0 =	sadd.s32 $0x8F2B, s0  }
0xbd: {  	[sflag:s0] =	ssyncadd.remote.s32 $0x1  }
0xbe: {  	_ =	sfence.sel $0xFFFF  }
0xbf: {  	[dreg:$0x0] =	wrdreg $0xFFFFFFFF;
	(pc) =	sbr.abs _section_cstart, $3  }
0xc0: {  	[dreg:$0x1] =	wrdreg $0xFFFFFFFF  }
0xc1: {  	_ =	task.clear_ibuf [dreg:s7], $0x2FFFF;
	_ =	strace $0x9FFFFFFF  }
0xc2: {  	(tm) =	ssettm $0x7FFFFFFF  }
0xc3: {  	_ =	shalt  }
tec
execute0_lowered:
.L_overlay_start_1:
0x0: {  	(tag) =	ssettag $0x1  }
0x1: {  	s0 =	srdreg.scid  }
0x2: {  	s3 =	sand.u32 $0x1, s0  }
0x3: {  	s4 =	rddreg [dreg:$0x0];
	s0 =	stileid.u32;
	s1 =	sshll.u32 s3, $0x4  }
0x4: {  	s5 =	rddreg [dreg:$0x1];
	s9 =	simm.s32 $0x1500;
	s2 =	sor.u32 s0, s1  }
0x5: {  	s10 =	simm.s32 $0x0;
	s7 =	sshll.u32 s0, $0x7;
	s6 =	sshrl.u32 s2, $0x3  }
0x6: {  	s3 =	ssub.s32 $0x2, s3;
	s1 =	rddreg [dreg:$0x2];
	s8 =	smul.u32 $0xA800, s6  }
0x7: {  	s7 =	sand.u32 $0x380, s7;
	s2 =	simm.s32 $0x0;
	s6 =	smul.u32 $0x14000, s6  }
0x8: {  	s31 =	sshrl.u32 s3, $0x1;
	[smem:$0x7FF] =	sst s2;
	s8 =	sor.u32 s7, s8  }
0x9: {  	_ =	strace $0x80000047;
	s6 =	sor.u32 s7, s6;
	s8 =	sshrl.u32 s8, $0x3  }
0xa: {  	s7 =	ssub.s32 s3, s31;
	s6 =	sshrl.u32 s6, $0x3;
	s4 =	sadd.s32 s8, s4  }
0xb: {  	s8 =	simm.s32 $0x1;
	s3 =	sadd.s32 $0x1C00, s4;
	s4 =	sadd.s32 s5, s6  }
0xc: {  	v0 =	vimm.f32 $0.0e+00;
	v1 =	vimm.f32 $1.000000000e+00;
	s5 =	smax.u32 s7, $0x1;
	s6 =	simm.s32 $0x80;
	s7 =	simm.s32 $0x400  }
.LBB2_1:
0xd: {  	[tilespmem:s2], [sflag:$0x1] =	stream.strided.gather [hbm4b:s3+s6], $0x1500, s7, s6, $0x38;
	[tilespmem:$0x3D00] =	vst v63  }
0xe: {  	_ =	swait.ge [sflag:s8], $0x1500  }
0xf: {  	[sflag:s8] =	ssyncset.done $0x0  }
0x10: {  	s11 =	simm.s32 $0x0;
	[sflag:s8] =	ssyncadd.s32 $0xFFFFEB00  }
.LBB2_2:
0x11: {  	p0 =	sne.s32 s11, $0x9FC0  }
.Ltmp0:
0x12: {  	_ = 	snop;
	(pc) =	sbr.rel @p0 .LBB2_2-.Ltmp0, $3  }
0x13: {  	_ =	sdelay $0x1  }
0x14: {  	s12 =	sshra.s32 s11, $0x2  }
0x15: {  	s11 =	sadd.s32 $0x40, s11;
	[tilespmem:s12+$0x1500] =	vst v0  }
0x16: {  	s12 =	simm.s32 $0x0;
	s11 =	simm.s32 $0x40  }
.LBB2_4:
0x17: {  	p0 =	sne.s32 s11, $0x53C0;
	v2 =	vld [tilespmem:s12+$0x0];
	_ =	sdelay $0x3  }
.Ltmp1:
0x18: {  	(pc) =	sbr.rel @p0 .LBB2_4-.Ltmp1, $2  }
0x19: {  	_ =	sdelay $0x2  }
0x1a: {  	s12 =	sshra.s32 s11, $0x2;
	s11 =	sadd.s32 $0x40, s11;
	[tilespmem:v2+s9+$0x0] =	vst.idx.add.f32.msk $0xffff, v1  }
0x1b: {  	v2 =	vld [tilespmem:s12+$0x0];
	_ =	sdelay $0x5  }
0x1c: {  	s10 =	sadd.s32 $0x1, s10  }
0x1d: {  	p0 =	sne.s32 s10, s5  }
.Ltmp2:
0x1e: {  	[tilespmem:v2+s9+$0x0] =	vst.idx.add.f32.msk $0xffff, v1;
	(pc) =	sbr.rel @p0 .LBB2_1-.Ltmp2, $4  }
0x1f: {  	[hbm4b:s4+s6] =	stream.strided.scatter [tilespmem:s9], [sflag:$0x1], $0x2800, s7, s6, $0x38;
	[tilespmem:$0x3D00] =	vst v63  }
0x20: {  	_ =	swait.ge [sflag:s8], $0x2800  }
0x21: {  	[sflag:s8] =	ssyncset.done $0x0  }
0x22: {  	[sflag:s8] =	ssyncadd.s32 $0xFFFFD800  }
0x23: {  	_ =	sfence.sel $0x180000  }
0x24: {  	[bflag:$0x0] =	sbarrier.arrive $0xFFFF  }
0x25: {  	p0 =	sne.s32 s0, $0x0;
	_ =	strace $0x90000047  }
0x26: {  	s0 =	sadd.s32 @!p0 $0x100000, s1;
	[bflag:$0x2] =	sbarrier.arrive $0xFFFF  }
0x27: {  	[sflag:s0] =	ssyncadd.tile.s32 @!p0 $0x1;
	_ =	shalt  }
.Lfunc_end2:
_tile_overlayer_lowered:
.L_overlay_start_2:
0x28: {  	(tag) =	ssettag $0x2  }
0x29: {  	s0 =	rddreg [dreg:$0x0];
	s2 =	stileid.u32  }
0x2a: {  	s1 =	rddreg [dreg:$0x1];
	p0 =	sne.s32 s2, $0x0  }
0x2b: {  	s3 =	rddreg [dreg:$0x2];
	[bflag:$0x3] =	sbarrier.arrive $0xFFFF;
	s2 =	simm.s32 @!p0 $0x1C01  }
0x2c: {  	[timem:s3], [sflag:s2] =	dma.local @!p0 [hbm:s0], s1  }
0x2d: {  	s0 =	simm.s32 @!p0 $0x1  }
0x2e: {  	_ =	swait.ge @!p0 [sflag:s0], s1  }
0x2f: {  	s1 =	ssub.s32 @!p0 $0x0, s1;
	[sflag:s0] =	ssyncset.done @!p0 $0x0  }
0x30: {  	[sflag:s0] =	ssyncadd.s32 @!p0 s1  }
0x31: {  	[bflag:$0x3] =	sbarrier.arrive $0xFFFF  }
0x32: {  	_ =	shalt  }

// kernel: kernel.9.cloned.1.call-start
scs
__scs_entry_jumppad:
0x0: {  	(pc) =	sbr.rel $0x88, $3  }
0x1: {  	(tag) =	ssettag $0x0;
	lr =	simm.s32 $0x1  }
0x2: {  	[smem:$0x3F99] =	sst lr;
	_ =	strace $0xD0000000  }
0x3: {  	_ = 	snop  }
0x4: {  	_ = 	snop  }
0x5: {  	_ = 	snop  }
0x6: {  	_ = 	snop  }
0x7: {  	_ = 	snop  }
__scs_overlays_trampoline_lowered:
0x8: {  	[smem:$0x3FA8] =	sst s0  }
0x9: {  	[smem:$0x3FA9] =	sst s1  }
0xa: {  	[smem:$0x3FAA] =	sst s2  }
0xb: {  	[smem:$0x3FAB] =	sst s3  }
0xc: {  	[smem:$0x3FAC] =	sst s4  }
0xd: {  	[smem:$0x3FAD] =	sst s5  }
0xe: {  	[smem:$0x3FAE] =	sst s6  }
0xf: {  	[smem:$0x3FAF] =	sst s7  }
0x10: {  	[smem:$0x3FB0] =	sst s8  }
0x11: {  	[smem:$0x3FB1] =	sst s9;
	s0 =	simm.s32 @!p0 $0x0  }
0x12: {  	s1 =	sld [smem:$0x3F97];
	s0 =	simm.s32 @p0 $0x1  }
0x13: {  	[smem:$0x3FB2] =	sst s0;
	s0 =	simm.s32 @!p1 $0x0  }
0x14: {  	s2 =	sld [smem:$0x3F96];
	s0 =	simm.s32 @p1 $0x1  }
0x15: {  	[smem:$0x3FB3] =	sst s0;
	s0 =	simm.s32 @!p2 $0x0  }
0x16: {  	s3 =	sld [smem:$0x3FDB];
	s0 =	simm.s32 @p2 $0x1  }
0x17: {  	s4 =	simm.s32 $0x1BF5;
	[smem:$0x3FB5] =	sst s0  }
0x18: {  	s0 =	sld [smem:$0x3F98];
	_ =	swait.ge [sflag:s4], $0x0  }
0x19: {  	s7 =	sld [smem:$0x3F99]  }
0x1a: {  	s8 =	sadd.s32 $0xFFFFE003, lr  }
0x1b: {  	s9 =	sadd.s32 $0xFFFFFEF7, lr;
	s5 =	simm.s32 $0xFFFFFFFF;
	p2 =	slt.u32 s8, $0xFFFFF086  }
0x1c: {  	p1 =	slt.u32 s9, $0xF7A;
	s5 =	simm.s32 @!p2 $0x0  }
0x1d: {  	s5 =	simm.s32 @p1 $0x1;
	p0 =	seq.s32 s7, s2  }
0x1e: {  	s7 =	smul.u32 @!p0 $0xF7A, s2;
	p2 =	seq.s32 @!p0 s5, $0x0  }
0x1f: {  	s9 =	smul.u32 $0xF7A, s1;
	s8 =	simm.s32 @!p0 $0x1BF5;
	p2 =	por !p2, p0  }
0x20: {  	[sflag:s8] =	ssyncset.s32 @!p0 $0xFFFFF086;
	s6 =	sadd.s32 @!p0 s3, s7;
	s7 =	simm.s32 @!p0 $0x108  }
0x21: {  	s3 =	sadd.s32 s3, s9;
	s6 =	sadd.s32 @!p0 $0x88, s6;
	s7 =	simm.s32 @p2 $0x1082  }
0x22: {  	[simem:s7], [sflag:s8] =	dma.local @!p0 [hbm:s6], $0xF7A  }
0x23: {  	s9 =	sor.u32 $0xD0000000, s2;
	s6 =	simm.s32 $0x108;
	_ =	swait.ge @!p0 [sflag:s8], $0x0  }
0x24: {  	s3 =	sadd.s32 $0x88, s3;
	s6 =	simm.s32 @!p1 $0x1082;
	[sflag:s4] =	ssyncset.s32 $0xFFFFF086  }
0x25: {  	[simem:s6], [sflag:s4] =	dma.local [hbm:s3], $0xF7A  }
0x26: {  	[smem:$0x3F99] =	sst s1;
	(tag) =	ssettag s2;
	_ =	strace s9  }
0x27: {  	s1 =	sld [smem:$0x3FA9]  }
0x28: {  	s2 =	sld [smem:$0x3FAA]  }
0x29: {  	s4 =	sld [smem:$0x3FAC]  }
0x2a: {  	p0 =	seq.s32 s5, $0x0;
	s5 =	sld [smem:$0x3FAD]  }
0x2b: {  	s6 =	sld [smem:$0x3FAE]  }
0x2c: {  	s7 =	sld [smem:$0x3FAF]  }
0x2d: {  	s3 =	simm.s32 $0x108;
	s8 =	sld [smem:$0x3FB0]  }
0x2e: {  	s3 =	simm.s32 @!p0 $0x1082;
	s9 =	sld [smem:$0x3FB1]  }
0x2f: {  	lr =	sadd.s32 s0, s3;
	s0 =	sld [smem:$0x3FA8]  }
0x30: {  	s3 =	sld [smem:$0x3FAB]  }
0x31: {  	[smem:$0x3FB4] =	sst s10  }
0x32: {  	s10 =	sld [smem:$0x3FB2];
	_ =	sdelay $0x3  }
0x33: {  	p0 =	seq.s32 s10, $0x1;
	s10 =	sld [smem:$0x3FB4];
	_ =	sdelay $0x3  }
0x34: {  	[smem:$0x3FB4] =	sst s10  }
0x35: {  	s10 =	sld [smem:$0x3FB3];
	_ =	sdelay $0x3  }
0x36: {  	p1 =	seq.s32 s10, $0x1;
	s10 =	sld [smem:$0x3FB4];
	_ =	sdelay $0x3  }
0x37: {  	[smem:$0x3FB4] =	sst s10  }
0x38: {  	s10 =	sld [smem:$0x3FB5]  }
0x39: {  	_ = 	snop;
	(pc) =	sbr.ind lr, $3  }
0x3a: {  	_ = 	snop  }
0x3b: {  	_ = 	snop  }
0x3c: {  	p2 =	seq.s32 s10, $0x1;
	s10 =	sld [smem:$0x3FB4]  }
0x3d: {  	_ =	shalt  }
0x3e: {  	_ =	shalt  }
0x3f: {  	_ =	shalt  }
0x40: {  	_ =	shalt  }
0x41: {  	_ =	shalt  }
0x42: {  	_ =	shalt  }
0x43: {  	_ =	shalt  }
0x44: {  	_ =	shalt  }
0x45: {  	_ =	shalt  }
0x46: {  	_ =	shalt  }
0x47: {  	_ =	shalt  }
0x48: {  	_ =	shalt  }
0x49: {  	_ =	shalt  }
0x4a: {  	_ =	shalt  }
0x4b: {  	_ =	shalt  }
0x4c: {  	_ =	shalt  }
0x4d: {  	_ =	shalt  }
0x4e: {  	_ =	shalt  }
0x4f: {  	_ =	shalt  }
0x50: {  	_ =	shalt  }
0x51: {  	_ =	shalt  }
0x52: {  	_ =	shalt  }
0x53: {  	_ =	shalt  }
0x54: {  	_ =	shalt  }
0x55: {  	_ =	shalt  }
0x56: {  	_ =	shalt  }
0x57: {  	_ =	shalt  }
0x58: {  	_ =	shalt  }
0x59: {  	_ =	shalt  }
0x5a: {  	_ =	shalt  }
0x5b: {  	_ =	shalt  }
0x5c: {  	_ =	shalt  }
0x5d: {  	_ =	shalt  }
0x5e: {  	_ =	shalt  }
0x5f: {  	_ =	shalt  }
0x60: {  	_ =	shalt  }
0x61: {  	_ =	shalt  }
0x62: {  	_ =	shalt  }
0x63: {  	_ =	shalt  }
0x64: {  	_ =	shalt  }
0x65: {  	_ =	shalt  }
0x66: {  	_ =	shalt  }
0x67: {  	_ =	shalt  }
0x68: {  	_ =	shalt  }
0x69: {  	_ =	shalt  }
0x6a: {  	_ =	shalt  }
0x6b: {  	_ =	shalt  }
0x6c: {  	_ =	shalt  }
0x6d: {  	_ =	shalt  }
0x6e: {  	_ =	shalt  }
0x6f: {  	_ =	shalt  }
0x70: {  	_ =	shalt  }
0x71: {  	_ =	shalt  }
0x72: {  	_ =	shalt  }
0x73: {  	_ =	shalt  }
0x74: {  	_ =	shalt  }
0x75: {  	_ =	shalt  }
0x76: {  	_ =	shalt  }
0x77: {  	_ =	shalt  }
0x78: {  	_ =	shalt  }
0x79: {  	_ =	shalt  }
0x7a: {  	_ =	shalt  }
0x7b: {  	_ =	shalt  }
0x7c: {  	_ =	shalt  }
0x7d: {  	_ =	shalt  }
0x7e: {  	_ =	shalt  }
0x7f: {  	_ =	shalt  }
0x80: {  	_ =	shalt  }
0x81: {  	_ =	shalt  }
0x82: {  	_ =	shalt  }
0x83: {  	_ =	shalt  }
0x84: {  	_ =	shalt  }
0x85: {  	_ =	shalt  }
0x86: {  	_ =	shalt  }
0x87: {  	_ =	shalt  }
.Lfunc_end0:
.L_simem_size_0:
called_computation.1_lowered:
.L_overlay_start_0:
0x88: {  	s2 =	sld [smem:$0x3FD9]  }
0x89: {  	s3 =	sld [smem:$0x3FFE];
	_ =	sdelay $0x1  }
0x8a: {  	s1 =	srdreg.scid  }
0x8b: {  	s0 =	sand.u32 $0x1, s1  }
0x8c: {  	s16 =	sshll.u32 s0, $0xA;
	s2 =	sadd.s32 s3, s2  }
0x8d: {  	s2 =	sadd.s32 s2, s16  }
0x8e: {  	[smem:$0x3FC0] =	sst s2  }
0x8f: {  	_ = 	snop  }
0x90: {  	(tm) =	ssettm $0x1  }
0x91: {  	s17 =	sld [smem:$0x3FFB];
	_ =	sdelay $0x3  }
0x92: {  	_ =	strace s17  }
0x93: {  	s2 =	sld [smem:$0x3FFC];
	_ =	sdelay $0x3  }
0x94: {  	_ =	strace s2  }
0x95: {  	s2 =	sld [smem:$0x3FFD];
	_ =	sdelay $0x3  }
0x96: {  	_ =	strace s2  }
0x97: {  	_ =	strace $0x8FFFFFFF  }
0x98: {  	s18 =	sld [smem:$0x3FDB];
	_ =	sdelay $0x1  }
0x99: {  	s19 =	simm.s32 $_scs_section_size  }
0x9a: {  	s4 =	simm.s32 $_size__tile_overlayer_lowered;
	s5 =	simm.s32 $_tile_overlayer_lowered  }
0x9b: {  	s22 =	simm.s32 $0x1BFF;
	s21 =	sshll.u32 s5, $0x1;
	s2 =	sadd.s32 s19, s18  }
0x9c: {  	s6 =	simm.s32 $0x0;
	s20 =	sshll.u32 s4, $0x1;
	s4 =	sadd.s32 s21, s2  }
0x9d: {  	[timem:s6], [sflag:s22] =	dma.local [hbm:s4], s20  }
0x9e: {  	_ =	swait.ge [sflag:s22], s20  }
0x9f: {  	s3 =	ssub.s32 $0x0, s20;
	[sflag:s22] =	ssyncset.done $0x0  }
0xa0: {  	[sflag:s22] =	ssyncadd.s32 s3;
	_ =	sdelay $0x1  }
0xa1: {  	s23 =	simm.s32 $0x1B8B  }
0xa2: {  	_ =	swait.ge [sflag:s23], $0x1  }
0xa3: {  	[sflag:s23] =	ssyncset.done $0x0  }
0xa4: {  	s25 =	simm.s32 $0x1B8E;
	s24 =	sld [smem:$0x3FFE];
	[sflag:s23] =	ssyncadd.s32 $0xFFFFFFFF  }
0xa5: {  	s26 =	simm.s32 $execute0_lowered;
	[smem:$0x3FD2] =	sst s25  }
0xa6: {  	s4 =	sshll.u32 s26, $0x1;
	_ =	strace $0x80000049;
	[dreg:$0x1] =	wrdreg $0xFFFFFFFF  }
0xa7: {  	s28 =	simm.s32 $_size_execute0_lowered;
	s2 =	sadd.s32 s2, s4;
	[dreg:$0x0] =	wrdreg $0x0  }
0xa8: {  	s4 =	sshll.u32 s28, $0x1;
	[dreg:$0x2] =	wrdreg s2  }
0xa9: {  	[dreg:$0x3] =	wrdreg s4  }
0xaa: {  	[dreg:$0x4] =	wrdreg $0xC0  }
0xab: {  	_ =	task [dreg:s6], $0x5FFFF  }
0xac: {  	[dreg:$0x1] =	wrdreg $0xFFFFFFFF  }
0xad: {  	[dreg:$0x0] =	wrdreg $0x60  }
0xae: {  	[dreg:$0x2] =	wrdreg s24  }
0xaf: {  	[dreg:$0x3] =	wrdreg $0xB8000  }
0xb0: {  	[dreg:$0x4] =	wrdreg $0x9  }
0xb1: {  	_ =	task.clear_ibuf [dreg:s6], $0x5FFFF;
	_ =	strace $0x90000049  }
0xb2: {  	s29 =	simm.s32 $0x9;
	_ =	strace $0x8000004B  }
0xb3: {  	_ =	swait.ge [sflag:s29], $0x1  }
0xb4: {  	[sflag:s29] =	ssyncadd.s32 $0xFFFFFFFF  }
0xb5: {  	_ =	strace $0x9000004B  }
0xb6: {  	_ =	sfence  }
0xb7: {  	s30 =	sld [smem:$0x0];
	_ =	sdelay $0x2  }
0xb8: {  	s31 =	sshll.u32 s1, $0xD;
	s1 =	sshrl.u32 s1, $0x2  }
0xb9: {  	s3 =	sand.u32 $0x4000, s31;
	s1 =	sadd.s32 s1, s30  }
0xba: {  	s0 =	sor.u32 s3, s0;
	s1 =	sshll.u32 s1, $0x11  }
0xbb: {  	s0 =	sor.u32 s1, s0  }
0xbc: {  	s0 =	sadd.s32 $0x8F2B, s0  }
0xbd: {  	[sflag:s0] =	ssyncadd.remote.s32 $0x1  }
0xbe: {  	_ =	sfence.sel $0xFFFF  }
0xbf: {  	[dreg:$0x0] =	wrdreg $0xFFFFFFFF;
	(pc) =	sbr.abs _section_cstart, $3  }
0xc0: {  	[dreg:$0x1] =	wrdreg $0xFFFFFFFF  }
0xc1: {  	_ =	task.clear_ibuf [dreg:s6], $0x2FFFF;
	_ =	strace $0x9FFFFFFF  }
0xc2: {  	(tm) =	ssettm $0x7FFFFFFF  }
0xc3: {  	_ =	shalt  }
tec
execute0_lowered:
.L_overlay_start_1:
0x0: {  	(tag) =	ssettag $0x1  }
0x1: {  	s6 =	rddreg [dreg:$0x0]  }
0x2: {  	s1 =	rddreg [dreg:$0x1];
	s2 =	srdreg.scid  }
0x3: {  	s0 =	rddreg [dreg:$0x2];
	s3 =	simm.s32 $0x0;
	s13 =	simm.s32 $0x1800  }
0x4: {  	s14 =	simm.s32 $0xB000;
	s15 =	simm.s32 $0x80;
	s16 =	simm.s32 $0x3000  }
0x5: {  	s17 =	simm.s32 $0x1;
	s18 =	simm.s32 $0x7000;
	s19 =	simm.s32 $0x2  }
0x6: {  	s20 =	simm.s32 $0x3;
	s21 =	simm.s32 $0x100;
	s22 =	simm.s32 $0x1880  }
0x7: {  	s23 =	simm.s32 $0x4;
	s7 =	sand.u32 $0x1, s2;
	s2 =	stileid.u32  }
0x8: {  	s24 =	simm.s32 $0x0;
	[smem:$0x7FF] =	sst s3;
	s8 =	smul.u32 $0x140000, s7  }
0x9: {  	s4 =	sadd.s32 $0x13000, s6;
	s5 =	sshll.u32 s7, $0x4;
	s9 =	smul.u32 $0x14000, s2  }
0xa: {  	_ =	strace $0x8000004A;
	s29 =	smul.u32 $0x50000, s2;
	s10 =	sor.u32 s2, s5  }
0xb: {  	s7 =	ssub.s32 $0x2, s7;
	s5 =	sadd.s32 $0x3B000, s6;
	s10 =	smul.u32 $0x300, s10  }
.Ltmp0:
0xc: {  	s30 =	sshrl.u32 s7, $0x1;
	s8 =	sadd.s32 s9, s8;
	(pc) =	sbr.rel .LBB2_1-.Ltmp0, $4  }
0xd: {  	s12 =	ssub.s32 s7, s30;
	s31 =	sshrl.u32 s29, $0x2;
	s8 =	sshrl.u32 s8, $0x3  }
0xe: {  	s10 =	sadd.s32 s10, s6;
	s11 =	sadd.s32 s8, s6;
	s8 =	sadd.s32 s31, s1  }
0xf: {  	s6 =	sadd.s32 $0xD000, s10;
	s7 =	sadd.s32 $0x7000, s10;
	s9 =	sadd.s32 $0x63000, s11  }
0x10: {  	v0 =	vimm.f32 $0.0e+00;
	s10 =	sadd.s32 $0xB3000, s11;
	s11 =	smax.u32 s12, $0x1;
	s12 =	simm.s32 $0x5  }
.LBB2_13:
0x11: {  	[spmem:s1] =	stream.indirect.scatter.add.f32 [tilespmem:s18], [sflag:$0x4], $0x80, s30, s15, $0xb8;
	[tilespmem:$0x1F800] =	vst v63  }
0x12: {  	_ =	swait.ge [sflag:s23], $0x4000  }
0x13: {  	s24 =	sadd.s32 $0x1, s24;
	[sflag:s23] =	ssyncset.done $0x0  }
0x14: {  	p0 =	sne.s32 s24, s11;
	[sflag:s23] =	ssyncadd.s32 $0xFFFFC000  }
.Ltmp1:
0x15: {  	[bflag:$0x0] =	sbarrier.arrive $0xFFFF;
	(pc) =	sbr.rel @!p0 .LBB2_14-.Ltmp1, $4  }
0x16: {  	[hbm:s10], [sflag:s25] =	dma.local [spmem:s26], $0x2800  }
0x17: {  	_ =	swait.ge [sflag:s12], $0x2800  }
0x18: {  	[sflag:s12] =	ssyncset.done $0x0  }
0x19: {  	[sflag:s12] =	ssyncadd.s32 $0xFFFFD800  }
.LBB2_1:
0x1a: {  	[tilespmem:s3], [sflag:$0x5] =	stream.linear.gather [hbm4b:s6+s3], $0x1500, $0x38;
	[tilespmem:$0x1F800] =	vst v63  }
0x1b: {  	_ =	swait.ge [sflag:s12], $0x1500  }
0x1c: {  	[sflag:s12] =	ssyncset.done $0x0  }
0x1d: {  	[sflag:s12] =	ssyncadd.s32 $0xFFFFEB00  }
0x1e: {  	[tilespmem:s13], [sflag:$0x5] =	stream.linear.gather [hbm4b:s7+s3], $0x1500, $0x38;
	[tilespmem:$0x1F800] =	vst v63  }
0x1f: {  	_ =	swait.ge [sflag:s12], $0x1500  }
0x20: {  	[sflag:s12] =	ssyncset.done $0x0  }
0x21: {  	s25 =	simm.s32 $0x0;
	s26 =	simm.s32 $0x200;
	[sflag:s12] =	ssyncadd.s32 $0xFFFFEB00  }
.LBB2_2:
0x22: {  	p0 =	sne.s32 s26, $0x1E00;
	[tilespmem:s25+$0xB070] =	vst v0  }
0x23: {  	[tilespmem:s25+$0xB000] =	vst v0  }
0x24: {  	[tilespmem:s25+$0xB010] =	vst v0  }
.Ltmp2:
0x25: {  	[tilespmem:s25+$0xB020] =	vst v0;
	(pc) =	sbr.rel @p0 .LBB2_2-.Ltmp2, $4  }
0x26: {  	[tilespmem:s25+$0xB030] =	vst v0  }
0x27: {  	[tilespmem:s25+$0xB040] =	vst v0  }
0x28: {  	[tilespmem:s25+$0xB050] =	vst v0  }
0x29: {  	[tilespmem:s25+$0xB060] =	vst v0;
	s25 =	sshra.s32 s26, $0x2;
	s26 =	sadd.s32 $0x200, s26  }
0x2a: {  	[tilespmem:s25+$0xB070] =	vst v0  }
0x2b: {  	[tilespmem:s25+$0xB000] =	vst v0  }
0x2c: {  	[tilespmem:s25+$0xB010] =	vst v0  }
0x2d: {  	[tilespmem:s25+$0xB020] =	vst v0  }
0x2e: {  	[tilespmem:s25+$0xB030] =	vst v0  }
0x2f: {  	[tilespmem:s25+$0xB040] =	vst v0  }
0x30: {  	[tilespmem:s25+$0xB050] =	vst v0  }
0x31: {  	[tilespmem:s25+$0xB060] =	vst v0;
	s31 =	sadd.s32 $0x0, s8  }
0x32: {  	[spmem:s31] =	stream.linear.scatter [tilespmem:s14], [sflag:$0x5], $0x800, $0x38;
	[tilespmem:$0x1F800] =	vst v63  }
0x33: {  	s25 =	simm.s32 $0x2000;
	_ =	swait.ge [sflag:s12], $0x800  }
.LBB2_4:
0x34: {  	s26 =	sshra.s32 s25, $0x2;
	[sflag:s12] =	ssyncset.done $0x0;
	p0 =	sne.s32 s25, $0x4E000  }
.Ltmp3:
0x35: {  	s26 =	sadd.s32 s26, s8;
	[sflag:s12] =	ssyncadd.s32 $0xFFFFF800;
	(pc) =	sbr.rel @p0 .LBB2_4-.Ltmp3, $3  }
0x36: {  	[spmem:s26] =	stream.linear.scatter [tilespmem:s14], [sflag:$0x5], $0x800, $0x38;
	[tilespmem:$0x1F800] =	vst v63  }
0x37: {  	s25 =	sadd.s32 $0x2000, s25;
	_ =	sdelay $0x1  }
0x38: {  	_ =	swait.ge [sflag:s12], $0x800  }
0x39: {  	[sflag:s12] =	ssyncset.done $0x0  }
0x3a: {  	[sflag:s12] =	ssyncadd.s32 $0xFFFFF800  }
0x3b: {  	[bflag:$0x0] =	sbarrier.arrive $0xFFFF  }
0x3c: {  	[tilespmem:s16], [sflag:$0x1] =	stream.indirect.gather [hbm4b:s4+s15], $0x80, s3, s15, $0xb8;
	[tilespmem:$0x1F800] =	vst v63  }
0x3d: {  	_ =	swait.ge [sflag:s17], $0x4000  }
0x3e: {  	[sflag:s17] =	ssyncset.done $0x0  }
0x3f: {  	[sflag:s17] =	ssyncadd.s32 $0xFFFFC000  }
0x40: {  	[tilespmem:s18], [sflag:$0x2] =	stream.indirect.gather [hbm4b:s4+s15], $0x80, s15, s15, $0xb8;
	[tilespmem:$0x1F800] =	vst v63  }
0x41: {  	_ = 	snop  }
0x42: {  	[spmem:s1] =	stream.indirect.scatter.add.f32 [tilespmem:s16], [sflag:$0x3], $0x80, s13, s15, $0xb8;
	[tilespmem:$0x1F800] =	vst v63  }
0x43: {  	_ =	swait.ge [sflag:s19], $0x4000  }
0x44: {  	[sflag:s19] =	ssyncset.done $0x0  }
0x45: {  	[sflag:s19] =	ssyncadd.s32 $0xFFFFC000  }
0x46: {  	_ =	swait.ge [sflag:s20], $0x4000  }
0x47: {  	[sflag:s20] =	ssyncset.done $0x0  }
0x48: {  	[sflag:s20] =	ssyncadd.s32 $0xFFFFC000  }
0x49: {  	[tilespmem:s16], [sflag:$0x1] =	stream.indirect.gather [hbm4b:s4+s15], $0x80, s21, s15, $0xb8;
	[tilespmem:$0x1F800] =	vst v63  }
0x4a: {  	s25 =	simm.s32 $0xFFFFB400  }
0x4b: {  	[spmem:s1] =	stream.indirect.scatter.add.f32 [tilespmem:s18], [sflag:$0x4], $0x80, s22, s15, $0xb8;
	[tilespmem:$0x1F800] =	vst v63  }
.LBB2_6:
0x4c: {  	_ =	swait.ge [sflag:s17], $0x4000  }
0x4d: {  	[sflag:s17] =	ssyncset.done $0x0  }
0x4e: {  	[sflag:s17] =	ssyncadd.s32 $0xFFFFC000  }
0x4f: {  	_ =	swait.ge [sflag:s23], $0x4000  }
0x50: {  	s26 =	sshra.s32 s25, $0x2;
	[sflag:s23] =	ssyncset.done $0x0  }
0x51: {  	s28 =	sadd.s32 $0x1480, s26;
	[sflag:s23] =	ssyncadd.s32 $0xFFFFC000  }
0x52: {  	[tilespmem:s18], [sflag:$0x2] =	stream.indirect.gather [hbm4b:s4+s15], $0x80, s28, s15, $0xb8;
	[tilespmem:$0x1F800] =	vst v63  }
0x53: {  	s28 =	sadd.s32 $0x2C00, s26  }
0x54: {  	[spmem:s1] =	stream.indirect.scatter.add.f32 [tilespmem:s16], [sflag:$0x3], $0x80, s28, s15, $0xb8;
	[tilespmem:$0x1F800] =	vst v63  }
0x55: {  	p0 =	seq.s32 s25, $0x0;
	_ =	swait.ge [sflag:s19], $0x4000  }
.Ltmp4:
0x56: {  	[sflag:s19] =	ssyncset.done $0x0;
	(pc) =	sbr.rel @p0 .LBB2_8-.Ltmp4, $4  }
0x57: {  	[sflag:s19] =	ssyncadd.s32 $0xFFFFC000  }
0x58: {  	_ =	swait.ge [sflag:s20], $0x4000  }
0x59: {  	[sflag:s20] =	ssyncset.done $0x0  }
0x5a: {  	s28 =	sadd.s32 $0x2C80, s26;
	[sflag:s20] =	ssyncadd.s32 $0xFFFFC000  }
.Ltmp5:
0x5b: {  	(pc) =	sbr.rel .LBB2_6-.Ltmp5, $4  }
0x5c: {  	s26 =	sadd.s32 $0x1500, s26  }
0x5d: {  	[tilespmem:s16], [sflag:$0x1] =	stream.indirect.gather [hbm4b:s4+s15], $0x80, s26, s15, $0xb8;
	[tilespmem:$0x1F800] =	vst v63  }
0x5e: {  	s25 =	sadd.s32 $0x400, s25  }
0x5f: {  	[spmem:s1] =	stream.indirect.scatter.add.f32 [tilespmem:s18], [sflag:$0x4], $0x80, s28, s15, $0xb8;
	[tilespmem:$0x1F800] =	vst v63  }
.LBB2_8:
0x60: {  	[spmem:s1] =	stream.indirect.scatter.add.f32 [tilespmem:s18], [sflag:$0x4], $0x80, s28, s15, $0xb8;
	[tilespmem:$0x1F800] =	vst v63  }
0x61: {  	_ =	swait.ge [sflag:s23], $0x4000  }
0x62: {  	[sflag:s23] =	ssyncset.done $0x0  }
0x63: {  	s25 =	sshll.u32 s2, $0x6;
	[sflag:s23] =	ssyncadd.s32 $0xFFFFC000  }
0x64: {  	s26 =	sshrl.u32 s8, $0x3;
	s25 =	sor.u32 $0x1C05, s25;
	[bflag:$0x0] =	sbarrier.arrive $0xFFFF  }
0x65: {  	[hbm:s9], [sflag:s25] =	dma.local [spmem:s26], $0x2800  }
0x66: {  	_ =	swait.ge [sflag:s12], $0x2800  }
0x67: {  	[sflag:s12] =	ssyncset.done $0x0  }
0x68: {  	s28 =	sadd.s32 $0x0, s8;
	[sflag:s12] =	ssyncadd.s32 $0xFFFFD800  }
0x69: {  	[spmem:s28] =	stream.linear.scatter [tilespmem:s14], [sflag:$0x5], $0x800, $0x38;
	[tilespmem:$0x1F800] =	vst v63  }
0x6a: {  	s28 =	simm.s32 $0x2000;
	_ =	swait.ge [sflag:s12], $0x800  }
.LBB2_9:
0x6b: {  	s29 =	sshra.s32 s28, $0x2;
	[sflag:s12] =	ssyncset.done $0x0;
	p0 =	sne.s32 s28, $0x4E000  }
.Ltmp6:
0x6c: {  	s29 =	sadd.s32 s29, s8;
	[sflag:s12] =	ssyncadd.s32 $0xFFFFF800;
	(pc) =	sbr.rel @p0 .LBB2_9-.Ltmp6, $3  }
0x6d: {  	[spmem:s29] =	stream.linear.scatter [tilespmem:s14], [sflag:$0x5], $0x800, $0x38;
	[tilespmem:$0x1F800] =	vst v63  }
0x6e: {  	s28 =	sadd.s32 $0x2000, s28;
	_ =	sdelay $0x1  }
0x6f: {  	_ =	swait.ge [sflag:s12], $0x800  }
0x70: {  	[sflag:s12] =	ssyncset.done $0x0  }
0x71: {  	[sflag:s12] =	ssyncadd.s32 $0xFFFFF800  }
0x72: {  	[bflag:$0x0] =	sbarrier.arrive $0xFFFF  }
0x73: {  	[tilespmem:s16], [sflag:$0x1] =	stream.indirect.gather [hbm4b:s5+s15], $0x80, s3, s15, $0xb8;
	[tilespmem:$0x1F800] =	vst v63  }
0x74: {  	_ =	swait.ge [sflag:s17], $0x4000  }
0x75: {  	[sflag:s17] =	ssyncset.done $0x0  }
0x76: {  	[sflag:s17] =	ssyncadd.s32 $0xFFFFC000  }
0x77: {  	[tilespmem:s18], [sflag:$0x2] =	stream.indirect.gather [hbm4b:s5+s15], $0x80, s15, s15, $0xb8;
	[tilespmem:$0x1F800] =	vst v63  }
0x78: {  	_ = 	snop  }
0x79: {  	[spmem:s1] =	stream.indirect.scatter.add.f32 [tilespmem:s16], [sflag:$0x3], $0x80, s13, s15, $0xb8;
	[tilespmem:$0x1F800] =	vst v63  }
0x7a: {  	_ =	swait.ge [sflag:s19], $0x4000  }
0x7b: {  	[sflag:s19] =	ssyncset.done $0x0  }
0x7c: {  	[sflag:s19] =	ssyncadd.s32 $0xFFFFC000  }
0x7d: {  	_ =	swait.ge [sflag:s20], $0x4000  }
0x7e: {  	[sflag:s20] =	ssyncset.done $0x0  }
0x7f: {  	[sflag:s20] =	ssyncadd.s32 $0xFFFFC000  }
0x80: {  	[tilespmem:s16], [sflag:$0x1] =	stream.indirect.gather [hbm4b:s5+s15], $0x80, s21, s15, $0xb8;
	[tilespmem:$0x1F800] =	vst v63  }
0x81: {  	s28 =	simm.s32 $0xFFFFB400  }
0x82: {  	[spmem:s1] =	stream.indirect.scatter.add.f32 [tilespmem:s18], [sflag:$0x4], $0x80, s22, s15, $0xb8;
	[tilespmem:$0x1F800] =	vst v63  }
.LBB2_11:
0x83: {  	_ =	swait.ge [sflag:s17], $0x4000  }
0x84: {  	[sflag:s17] =	ssyncset.done $0x0  }
0x85: {  	[sflag:s17] =	ssyncadd.s32 $0xFFFFC000  }
0x86: {  	_ =	swait.ge [sflag:s23], $0x4000  }
0x87: {  	s29 =	sshra.s32 s28, $0x2;
	[sflag:s23] =	ssyncset.done $0x0  }
0x88: {  	s30 =	sadd.s32 $0x1480, s29;
	[sflag:s23] =	ssyncadd.s32 $0xFFFFC000  }
0x89: {  	[tilespmem:s18], [sflag:$0x2] =	stream.indirect.gather [hbm4b:s5+s15], $0x80, s30, s15, $0xb8;
	[tilespmem:$0x1F800] =	vst v63  }
0x8a: {  	s30 =	sadd.s32 $0x2C00, s29  }
0x8b: {  	[spmem:s1] =	stream.indirect.scatter.add.f32 [tilespmem:s16], [sflag:$0x3], $0x80, s30, s15, $0xb8;
	[tilespmem:$0x1F800] =	vst v63  }
0x8c: {  	p0 =	seq.s32 s28, $0x0;
	_ =	swait.ge [sflag:s19], $0x4000  }
.Ltmp7:
0x8d: {  	[sflag:s19] =	ssyncset.done $0x0;
	(pc) =	sbr.rel @p0 .LBB2_13-.Ltmp7, $4  }
0x8e: {  	[sflag:s19] =	ssyncadd.s32 $0xFFFFC000  }
0x8f: {  	_ =	swait.ge [sflag:s20], $0x4000  }
0x90: {  	[sflag:s20] =	ssyncset.done $0x0  }
0x91: {  	s30 =	sadd.s32 $0x2C80, s29;
	[sflag:s20] =	ssyncadd.s32 $0xFFFFC000  }
.Ltmp8:
0x92: {  	(pc) =	sbr.rel .LBB2_11-.Ltmp8, $4  }
0x93: {  	s29 =	sadd.s32 $0x1500, s29  }
0x94: {  	[tilespmem:s16], [sflag:$0x1] =	stream.indirect.gather [hbm4b:s5+s15], $0x80, s29, s15, $0xb8;
	[tilespmem:$0x1F800] =	vst v63  }
0x95: {  	s28 =	sadd.s32 $0x400, s28  }
0x96: {  	[spmem:s1] =	stream.indirect.scatter.add.f32 [tilespmem:s18], [sflag:$0x4], $0x80, s30, s15, $0xb8;
	[tilespmem:$0x1F800] =	vst v63  }
.LBB2_14:
0x97: {  	_ =	sfence.sel $0x180000  }
0x98: {  	[bflag:$0x0] =	sbarrier.arrive $0xFFFF  }
0x99: {  	p0 =	sne.s32 s2, $0x0;
	_ =	strace $0x9000004A  }
0x9a: {  	s0 =	sadd.s32 @!p0 $0x100000, s0;
	[bflag:$0x2] =	sbarrier.arrive $0xFFFF  }
0x9b: {  	[sflag:s0] =	ssyncadd.tile.s32 @!p0 $0x1;
	_ =	shalt  }
.Lfunc_end2:
_tile_overlayer_lowered:
.L_overlay_start_2:
0x9c: {  	(tag) =	ssettag $0x2  }
0x9d: {  	s0 =	rddreg [dreg:$0x0];
	s2 =	stileid.u32  }
0x9e: {  	s1 =	rddreg [dreg:$0x1];
	p0 =	sne.s32 s2, $0x0  }
0x9f: {  	s3 =	rddreg [dreg:$0x2];
	[bflag:$0x3] =	sbarrier.arrive $0xFFFF;
	s2 =	simm.s32 @!p0 $0x1C05  }
0xa0: {  	[timem:s3], [sflag:s2] =	dma.local @!p0 [hbm:s0], s1  }
0xa1: {  	s0 =	simm.s32 @!p0 $0x5  }
0xa2: {  	_ =	swait.ge @!p0 [sflag:s0], s1  }
0xa3: {  	s1 =	ssub.s32 @!p0 $0x0, s1;
	[sflag:s0] =	ssyncset.done @!p0 $0x0  }
0xa4: {  	[sflag:s0] =	ssyncadd.s32 @!p0 s1  }
0xa5: {  	[bflag:$0x3] =	sbarrier.arrive $0xFFFF  }
0xa6: {  	_ =	shalt  }

</sc_bundles>
